<compile_context>
chip_gen: v7x
topology: tpu7x:2x2x1
jax: 0.10.2.dev20260603
libtpu: 0.0.44.dev20260713+nightly
codegen_flags: <defaults>
</compile_context>

<pallas_src>
import jax
import jax.numpy as jnp
from jax import lax
from jax.experimental import pallas as pl
from jax.experimental.pallas import tpu as pltpu
from jax.experimental.pallas import tpu_sc as plsc

N = 100000
G = 16
NC = 2
NS = 16
CHUNK = 3120
HALF = 1568
TAIL = N - NC * NS * CHUNK
L = 16
NW = NC * NS


def _accum_range(ne_v, lg_v, b_v, accs, iota, lo, hi):
    pairs = (hi - lo) // (2 * L)

    def step(j, _):
        off = lo + j * (2 * L)
        v0 = ne_v[pl.ds(off, L)] * lg_v[pl.ds(off, L)]
        plsc.addupdate_scatter(accs[0], [iota, b_v[pl.ds(off, L)]], v0)
        v1 = ne_v[pl.ds(off + L, L)] * lg_v[pl.ds(off + L, L)]
        plsc.addupdate_scatter(accs[1], [iota, b_v[pl.ds(off + L, L)]], v1)
        return _

    lax.fori_loop(0, pairs, step, 0, unroll=4)
    for o in range(lo + pairs * 2 * L, hi, L):
        v = ne_v[pl.ds(o, L)] * lg_v[pl.ds(o, L)]
        plsc.addupdate_scatter(accs[(o // L) % 2], [iota, b_v[pl.ds(o, L)]], v)


def _sc_body(ne_hbm, lg_hbm, b_hbm, out_hbm, stage_hbm,
             ne_v, lg_v, b_v, acc_a, acc_b, tot_v, gath_v,
             sem1, sem2, sem3, sem4, sem5, sem6):
    c = lax.axis_index("c")
    s = lax.axis_index("s")
    w = c * NS + s
    base = pl.multiple_of(w * CHUNK, 8)
    base2 = pl.multiple_of(base + HALF, 8)
    REST = CHUNK - HALF

    c1 = pltpu.async_copy(ne_hbm.at[pl.ds(base, HALF)], ne_v.at[pl.ds(0, HALF)], sem1)
    c2 = pltpu.async_copy(lg_hbm.at[pl.ds(base, HALF)], lg_v.at[pl.ds(0, HALF)], sem2)
    c3 = pltpu.async_copy(b_hbm.at[pl.ds(base, HALF)], b_v.at[pl.ds(0, HALF)], sem3)
    c4 = pltpu.async_copy(ne_hbm.at[pl.ds(base2, REST)], ne_v.at[pl.ds(HALF, REST)], sem4)
    c5 = pltpu.async_copy(lg_hbm.at[pl.ds(base2, REST)], lg_v.at[pl.ds(HALF, REST)], sem5)
    c6 = pltpu.async_copy(b_hbm.at[pl.ds(base2, REST)], b_v.at[pl.ds(HALF, REST)], sem6)

    zero16 = jnp.zeros((L,), jnp.float32)
    for r in range(L):
        acc_a[r] = zero16
        acc_b[r] = zero16

    iota = lax.iota(jnp.int32, L)
    accs = (acc_a, acc_b)

    c1.wait()
    c2.wait()
    c3.wait()
    _accum_range(ne_v, lg_v, b_v, accs, iota, 0, HALF)

    c4.wait()
    c5.wait()
    c6.wait()
    _accum_range(ne_v, lg_v, b_v, accs, iota, HALF, CHUNK)

    @pl.when(w == NW - 1)
    def _tail():
        t1 = pltpu.async_copy(ne_hbm.at[pl.ds(NW * CHUNK, TAIL)],
                              ne_v.at[pl.ds(0, TAIL)], sem1)
        t2 = pltpu.async_copy(lg_hbm.at[pl.ds(NW * CHUNK, TAIL)],
                              lg_v.at[pl.ds(0, TAIL)], sem2)
        t3 = pltpu.async_copy(b_hbm.at[pl.ds(NW * CHUNK, TAIL)],
                              b_v.at[pl.ds(0, TAIL)], sem3)
        t1.wait()
        t2.wait()
        t3.wait()
        _accum_range(ne_v, lg_v, b_v, accs, iota, 0, TAIL)

    tot = acc_a[0] + acc_b[0]
    for r in range(1, L):
        tot = tot + acc_a[r] + acc_b[r]
    tot_v[...] = tot

    pltpu.sync_copy(tot_v, stage_hbm.at[c, s])
    plsc.subcore_barrier()

    @pl.when(s == 0)
    def _reduce():
        pltpu.sync_copy(stage_hbm.at[c], gath_v)
        red = gath_v[0]
        for r in range(1, NS):
            red = red + gath_v[r]
        tot_v[...] = red
        pltpu.sync_copy(tot_v, out_hbm.at[c])


_mesh = plsc.VectorSubcoreMesh(
    core_axis_name="c", subcore_axis_name="s", num_cores=NC, num_subcores=NS)

_seg_sum = pl.kernel(
    _sc_body,
    out_type=(jax.ShapeDtypeStruct((NC, G), jnp.float32),
              jax.ShapeDtypeStruct((NC, NS, L), jnp.float32)),
    mesh=_mesh,
    compiler_params=pltpu.CompilerParams(needs_layout_passes=False),
    scratch_types=[
        pltpu.VMEM((CHUNK,), jnp.float32),
        pltpu.VMEM((CHUNK,), jnp.float32),
        pltpu.VMEM((CHUNK,), jnp.int32),
        pltpu.VMEM((L, L), jnp.float32),
        pltpu.VMEM((L, L), jnp.float32),
        pltpu.VMEM((L,), jnp.float32),
        pltpu.VMEM((NS, L), jnp.float32),
        pltpu.SemaphoreType.DMA,
        pltpu.SemaphoreType.DMA,
        pltpu.SemaphoreType.DMA,
        pltpu.SemaphoreType.DMA,
        pltpu.SemaphoreType.DMA,
        pltpu.SemaphoreType.DMA,
    ],
)


def kernel(node_energy, local_or_ghost, batch, ptr, positions, cell, forces):
    tot2, _stage = _seg_sum(node_energy, local_or_ghost, batch.astype(jnp.int32))
    total = tot2[0] + tot2[1]
    virials = jnp.zeros_like(cell)
    return (total, node_energy, forces, virials)

# --- scband reference (transcript-rebuilt; emitter-appended) ---
"""Pipeline reference for scband-lammps-bam-3178275799312 (READ-ONLY COPY).

The authoritative reference and input builder live on the scoring server;
editing this copy changes nothing except your own understanding.
"""

import jax, jax.numpy as jnp
import numpy as np

N = 100000
G = 16


def setup_inputs(seed: int = 0) -> dict:
    key = jax.random.key(seed)
    k1, k2, k3, k4, k5, k6 = jax.random.split(key, 6)
    node_energy = jax.random.normal(k1, (N,), dtype=jnp.float32)
    local_or_ghost = jax.random.uniform(k2, (N,), dtype=jnp.float32)
    batch = jnp.sort(jax.random.randint(k3, (N,), 0, G, dtype=jnp.int64))
    ptr = jnp.arange(G + 1, dtype=jnp.int64)
    positions = jax.random.normal(k4, (N, 3), dtype=jnp.float32)
    cell = jax.random.normal(k5, (G, 3, 3), dtype=jnp.float32)
    forces = jax.random.normal(k6, (N, 3), dtype=jnp.float32)
    return {
        "node_energy": node_energy,
        "local_or_ghost": local_or_ghost,
        "batch": batch,
        "ptr": ptr,
        "positions": positions,
        "cell": cell,
        "forces": forces,
    }


def reference(node_energy, local_or_ghost, batch, ptr, positions, cell, forces):
    # num_graphs = ptr.numel() - 1 (static under jit)
    num_graphs = ptr.shape[0] - 1
    # node_energy_local = node_energy * local_or_ghost  (mask out ghost atoms)
    node_energy_local = node_energy * local_or_ghost
    # scatter_sum(src=node_energy_local, index=batch, dim_size=num_graphs)
    total_energy_local = jax.ops.segment_sum(
        node_energy_local, batch, num_segments=num_graphs
    )
    # compute_virials=False path: virials returned as zeros_like(cell)
    virials = jnp.zeros_like(cell)
    return (total_energy_local, node_energy, forces, virials)

if __name__ == "__main__":
    import jax
    _d = setup_inputs()
    print(jax.jit(kernel)(*tuple(_d.values())))

</pallas_src>

<mosaic_0001>
#map = affine_map<(d0, d1) -> (0)>
#map1 = affine_map<(d0, d1) -> (0, 0)>
#map2 = affine_map<(d0, d1) -> (0, 0, 0)>
module attributes {stable_mosaic.version = 14 : i64} {
  func.func @_sc_body(%arg0: i32, %arg1: i32, %arg2: memref<100000xf32, #tpu.memory_space<hbm>>, %arg3: memref<100000xf32, #tpu.memory_space<hbm>>, %arg4: memref<100000xi32, #tpu.memory_space<hbm>>, %arg5: memref<2x16xf32, #tpu.memory_space<hbm>>, %arg6: memref<2x16x16xf32, #tpu.memory_space<hbm>>, %arg7: memref<3120xf32, #tpu.memory_space<vmem>>, %arg8: memref<3120xf32, #tpu.memory_space<vmem>>, %arg9: memref<3120xi32, #tpu.memory_space<vmem>>, %arg10: memref<16x16xf32, #tpu.memory_space<vmem>>, %arg11: memref<16x16xf32, #tpu.memory_space<vmem>>, %arg12: memref<16xf32, #tpu.memory_space<vmem>>, %arg13: memref<16x16xf32, #tpu.memory_space<vmem>>, %arg14: memref<!tpu.dma_semaphore, #tpu.memory_space<semaphore_mem>>, %arg15: memref<!tpu.dma_semaphore, #tpu.memory_space<semaphore_mem>>, %arg16: memref<!tpu.dma_semaphore, #tpu.memory_space<semaphore_mem>>, %arg17: memref<!tpu.dma_semaphore, #tpu.memory_space<semaphore_mem>>, %arg18: memref<!tpu.dma_semaphore, #tpu.memory_space<semaphore_mem>>, %arg19: memref<!tpu.dma_semaphore, #tpu.memory_space<semaphore_mem>>) attributes {dimension_semantics = [#tpu.dimension_semantics<core_parallel>, #tpu.dimension_semantics<subcore_parallel>], iteration_bounds = array<i64: 2, 16>, scalar_prefetch = 0 : i64, scratch_operands = 13 : i64, tpu.core_type = #tpu.core_type<sc_vector_subcore>, window_params = [{transform_indices = #map}, {transform_indices = #map}, {transform_indices = #map}, {transform_indices = #map1}, {transform_indices = #map2}]} {
    %mul3A = arith.constant 16 : i32
    %mul3A_0 = arith.muli %arg0, %mul3A : i32
    %add3A = arith.addi %mul3A_0, %arg1 : i32
    %mul3A_1 = arith.constant 3120 : i32
    %mul3A_2 = arith.muli %add3A, %mul3A_1 : i32
    %multiple_of3A = tpu.assume_multiple %mul3A_2, 8 : i32
    %add3A_3 = arith.constant 1568 : i32
    %add3A_4 = arith.addi %multiple_of3A, %add3A_3 : i32
    %multiple_of3A_5 = tpu.assume_multiple %add3A_4, 8 : i32
    %dma_start3A = arith.constant 0 : i32
    %dma_start3A_6 = tpu.memref_slice %arg7[%dma_start3A] : memref<3120xf32, #tpu.memory_space<vmem>> -> memref<1568xf32, #tpu.memory_space<vmem>>
    %dma_start3A_7 = tpu.memref_slice %arg2[%multiple_of3A] : memref<100000xf32, #tpu.memory_space<hbm>> -> memref<1568xf32, #tpu.memory_space<hbm>>
    %dma_start3A_8 = arith.constant 0 : i32
    %dma_start3A_9 = tpu.memref_slice %arg7[%dma_start3A_8] : memref<3120xf32, #tpu.memory_space<vmem>> -> memref<1568xf32, #tpu.memory_space<vmem>>
    %dma_start3A_10 = tpu.memref_slice %arg2[%multiple_of3A] : memref<100000xf32, #tpu.memory_space<hbm>> -> memref<1568xf32, #tpu.memory_space<hbm>>
    tpu.enqueue_dma source(%dma_start3A_10 : memref<1568xf32, #tpu.memory_space<hbm>>) target(%dma_start3A_9 : memref<1568xf32, #tpu.memory_space<vmem>>) target_semaphore(%arg14 : memref<!tpu.dma_semaphore, #tpu.memory_space<semaphore_mem>>)
    %dma_start3A_11 = arith.constant 0 : i32
    %dma_start3A_12 = tpu.memref_slice %arg8[%dma_start3A_11] : memref<3120xf32, #tpu.memory_space<vmem>> -> memref<1568xf32, #tpu.memory_space<vmem>>
    %dma_start3A_13 = tpu.memref_slice %arg3[%multiple_of3A] : memref<100000xf32, #tpu.memory_space<hbm>> -> memref<1568xf32, #tpu.memory_space<hbm>>
    %dma_start3A_14 = arith.constant 0 : i32
    %dma_start3A_15 = tpu.memref_slice %arg8[%dma_start3A_14] : memref<3120xf32, #tpu.memory_space<vmem>> -> memref<1568xf32, #tpu.memory_space<vmem>>
    %dma_start3A_16 = tpu.memref_slice %arg3[%multiple_of3A] : memref<100000xf32, #tpu.memory_space<hbm>> -> memref<1568xf32, #tpu.memory_space<hbm>>
    tpu.enqueue_dma source(%dma_start3A_16 : memref<1568xf32, #tpu.memory_space<hbm>>) target(%dma_start3A_15 : memref<1568xf32, #tpu.memory_space<vmem>>) target_semaphore(%arg15 : memref<!tpu.dma_semaphore, #tpu.memory_space<semaphore_mem>>)
    %dma_start3A_17 = arith.constant 0 : i32
    %dma_start3A_18 = tpu.memref_slice %arg9[%dma_start3A_17] : memref<3120xi32, #tpu.memory_space<vmem>> -> memref<1568xi32, #tpu.memory_space<vmem>>
    %dma_start3A_19 = tpu.memref_slice %arg4[%multiple_of3A] : memref<100000xi32, #tpu.memory_space<hbm>> -> memref<1568xi32, #tpu.memory_space<hbm>>
    %dma_start3A_20 = arith.constant 0 : i32
    %dma_start3A_21 = tpu.memref_slice %arg9[%dma_start3A_20] : memref<3120xi32, #tpu.memory_space<vmem>> -> memref<1568xi32, #tpu.memory_space<vmem>>
    %dma_start3A_22 = tpu.memref_slice %arg4[%multiple_of3A] : memref<100000xi32, #tpu.memory_space<hbm>> -> memref<1568xi32, #tpu.memory_space<hbm>>
    tpu.enqueue_dma source(%dma_start3A_22 : memref<1568xi32, #tpu.memory_space<hbm>>) target(%dma_start3A_21 : memref<1568xi32, #tpu.memory_space<vmem>>) target_semaphore(%arg16 : memref<!tpu.dma_semaphore, #tpu.memory_space<semaphore_mem>>)
    %dma_start3A_23 = arith.constant 1568 : i32
    %dma_start3A_24 = tpu.memref_slice %arg7[%dma_start3A_23] : memref<3120xf32, #tpu.memory_space<vmem>> -> memref<1552xf32, #tpu.memory_space<vmem>>
    %dma_start3A_25 = tpu.memref_slice %arg2[%multiple_of3A_5] : memref<100000xf32, #tpu.memory_space<hbm>> -> memref<1552xf32, #tpu.memory_space<hbm>>
    %dma_start3A_26 = arith.constant 1568 : i32
    %dma_start3A_27 = tpu.memref_slice %arg7[%dma_start3A_26] : memref<3120xf32, #tpu.memory_space<vmem>> -> memref<1552xf32, #tpu.memory_space<vmem>>
    %dma_start3A_28 = tpu.memref_slice %arg2[%multiple_of3A_5] : memref<100000xf32, #tpu.memory_space<hbm>> -> memref<1552xf32, #tpu.memory_space<hbm>>
    tpu.enqueue_dma source(%dma_start3A_28 : memref<1552xf32, #tpu.memory_space<hbm>>) target(%dma_start3A_27 : memref<1552xf32, #tpu.memory_space<vmem>>) target_semaphore(%arg17 : memref<!tpu.dma_semaphore, #tpu.memory_space<semaphore_mem>>)
    %dma_start3A_29 = arith.constant 1568 : i32
    %dma_start3A_30 = tpu.memref_slice %arg8[%dma_start3A_29] : memref<3120xf32, #tpu.memory_space<vmem>> -> memref<1552xf32, #tpu.memory_space<vmem>>
    %dma_start3A_31 = tpu.memref_slice %arg3[%multiple_of3A_5] : memref<100000xf32, #tpu.memory_space<hbm>> -> memref<1552xf32, #tpu.memory_space<hbm>>
    %dma_start3A_32 = arith.constant 1568 : i32
    %dma_start3A_33 = tpu.memref_slice %arg8[%dma_start3A_32] : memref<3120xf32, #tpu.memory_space<vmem>> -> memref<1552xf32, #tpu.memory_space<vmem>>
    %dma_start3A_34 = tpu.memref_slice %arg3[%multiple_of3A_5] : memref<100000xf32, #tpu.memory_space<hbm>> -> memref<1552xf32, #tpu.memory_space<hbm>>
    tpu.enqueue_dma source(%dma_start3A_34 : memref<1552xf32, #tpu.memory_space<hbm>>) target(%dma_start3A_33 : memref<1552xf32, #tpu.memory_space<vmem>>) target_semaphore(%arg18 : memref<!tpu.dma_semaphore, #tpu.memory_space<semaphore_mem>>)
    %dma_start3A_35 = arith.constant 1568 : i32
    %dma_start3A_36 = tpu.memref_slice %arg9[%dma_start3A_35] : memref<3120xi32, #tpu.memory_space<vmem>> -> memref<1552xi32, #tpu.memory_space<vmem>>
    %dma_start3A_37 = tpu.memref_slice %arg4[%multiple_of3A_5] : memref<100000xi32, #tpu.memory_space<hbm>> -> memref<1552xi32, #tpu.memory_space<hbm>>
    %dma_start3A_38 = arith.constant 1568 : i32
    %dma_start3A_39 = tpu.memref_slice %arg9[%dma_start3A_38] : memref<3120xi32, #tpu.memory_space<vmem>> -> memref<1552xi32, #tpu.memory_space<vmem>>
    %dma_start3A_40 = tpu.memref_slice %arg4[%multiple_of3A_5] : memref<100000xi32, #tpu.memory_space<hbm>> -> memref<1552xi32, #tpu.memory_space<hbm>>
    tpu.enqueue_dma source(%dma_start3A_40 : memref<1552xi32, #tpu.memory_space<hbm>>) target(%dma_start3A_39 : memref<1552xi32, #tpu.memory_space<vmem>>) target_semaphore(%arg19 : memref<!tpu.dma_semaphore, #tpu.memory_space<semaphore_mem>>)
    %broadcast_in_dim3A = arith.constant 0.000000e+00 : f32
    %broadcast_in_dim3A_41 = vector.broadcast %broadcast_in_dim3A : f32 to vector<16xf32>
    %swap3A = arith.constant 0 : i32
    %swap3A_42 = arith.index_cast %swap3A : i32 to index
    %swap3A_43 = arith.constant 0 : index
    %swap3A_44 = tpu.vector_load %arg10[%swap3A_42, %swap3A_43] {strides = array<i32>} : memref<16x16xf32, #tpu.memory_space<vmem>>, vector<16xf32>,
    tpu.vector_store %arg10[%swap3A_42, %swap3A_43], %broadcast_in_dim3A_41 {strides = array<i32>} : memref<16x16xf32, #tpu.memory_space<vmem>>, vector<16xf32>,
    %swap3A_45 = arith.constant 0 : i32
    %swap3A_46 = arith.index_cast %swap3A_45 : i32 to index
    %swap3A_47 = arith.constant 0 : index
    %swap3A_48 = tpu.vector_load %arg11[%swap3A_46, %swap3A_47] {strides = array<i32>} : memref<16x16xf32, #tpu.memory_space<vmem>>, vector<16xf32>,
    tpu.vector_store %arg11[%swap3A_46, %swap3A_47], %broadcast_in_dim3A_41 {strides = array<i32>} : memref<16x16xf32, #tpu.memory_space<vmem>>, vector<16xf32>,
    %swap3A_49 = arith.constant 1 : i32
    %swap3A_50 = arith.index_cast %swap3A_49 : i32 to index
    %swap3A_51 = arith.constant 0 : index
    %swap3A_52 = tpu.vector_load %arg10[%swap3A_50, %swap3A_51] {strides = array<i32>} : memref<16x16xf32, #tpu.memory_space<vmem>>, vector<16xf32>,
    tpu.vector_store %arg10[%swap3A_50, %swap3A_51], %broadcast_in_dim3A_41 {strides = array<i32>} : memref<16x16xf32, #tpu.memory_space<vmem>>, vector<16xf32>,
    %swap3A_53 = arith.constant 1 : i32
    %swap3A_54 = arith.index_cast %swap3A_53 : i32 to index
    %swap3A_55 = arith.constant 0 : index
    %swap3A_56 = tpu.vector_load %arg11[%swap3A_54, %swap3A_55] {strides = array<i32>} : memref<16x16xf32, #tpu.memory_space<vmem>>, vector<16xf32>,
    tpu.vector_store %arg11[%swap3A_54, %swap3A_55], %broadcast_in_dim3A_41 {strides = array<i32>} : memref<16x16xf32, #tpu.memory_space<vmem>>, vector<16xf32>,
    %swap3A_57 = arith.constant 2 : i32
    %swap3A_58 = arith.index_cast %swap3A_57 : i32 to index
    %swap3A_59 = arith.constant 0 : index
    %swap3A_60 = tpu.vector_load %arg10[%swap3A_58, %swap3A_59] {strides = array<i32>} : memref<16x16xf32, #tpu.memory_space<vmem>>, vector<16xf32>,
    tpu.vector_store %arg10[%swap3A_58, %swap3A_59], %broadcast_in_dim3A_41 {strides = array<i32>} : memref<16x16xf32, #tpu.memory_space<vmem>>, vector<16xf32>,
    %swap3A_61 = arith.constant 2 : i32
    %swap3A_62 = arith.index_cast %swap3A_61 : i32 to index
    %swap3A_63 = arith.constant 0 : index
    %swap3A_64 = tpu.vector_load %arg11[%swap3A_62, %swap3A_63] {strides = array<i32>} : memref<16x16xf32, #tpu.memory_space<vmem>>, vector<16xf32>,
    tpu.vector_store %arg11[%swap3A_62, %swap3A_63], %broadcast_in_dim3A_41 {strides = array<i32>} : memref<16x16xf32, #tpu.memory_space<vmem>>, vector<16xf32>,
    %swap3A_65 = arith.constant 3 : i32
    %swap3A_66 = arith.index_cast %swap3A_65 : i32 to index
    %swap3A_67 = arith.constant 0 : index
    %swap3A_68 = tpu.vector_load %arg10[%swap3A_66, %swap3A_67] {strides = array<i32>} : memref<16x16xf32, #tpu.memory_space<vmem>>, vector<16xf32>,
    tpu.vector_store %arg10[%swap3A_66, %swap3A_67], %broadcast_in_dim3A_41 {strides = array<i32>} : memref<16x16xf32, #tpu.memory_space<vmem>>, vector<16xf32>,
    %swap3A_69 = arith.constant 3 : i32
    %swap3A_70 = arith.index_cast %swap3A_69 : i32 to index
    %swap3A_71 = arith.constant 0 : index
    %swap3A_72 = tpu.vector_load %arg11[%swap3A_70, %swap3A_71] {strides = array<i32>} : memref<16x16xf32, #tpu.memory_space<vmem>>, vector<16xf32>,
    tpu.vector_store %arg11[%swap3A_70, %swap3A_71], %broadcast_in_dim3A_41 {strides = array<i32>} : memref<16x16xf32, #tpu.memory_space<vmem>>, vector<16xf32>,
    %swap3A_73 = arith.constant 4 : i32
    %swap3A_74 = arith.index_cast %swap3A_73 : i32 to index
    %swap3A_75 = arith.constant 0 : index
    %swap3A_76 = tpu.vector_load %arg10[%swap3A_74, %swap3A_75] {strides = array<i32>} : memref<16x16xf32, #tpu.memory_space<vmem>>, vector<16xf32>,
    tpu.vector_store %arg10[%swap3A_74, %swap3A_75], %broadcast_in_dim3A_41 {strides = array<i32>} : memref<16x16xf32, #tpu.memory_space<vmem>>, vector<16xf32>,
    %swap3A_77 = arith.constant 4 : i32
    %swap3A_78 = arith.index_cast %swap3A_77 : i32 to index
    %swap3A_79 = arith.constant 0 : index
    %swap3A_80 = tpu.vector_load %arg11[%swap3A_78, %swap3A_79] {strides = array<i32>} : memref<16x16xf32, #tpu.memory_space<vmem>>, vector<16xf32>,
    tpu.vector_store %arg11[%swap3A_78, %swap3A_79], %broadcast_in_dim3A_41 {strides = array<i32>} : memref<16x16xf32, #tpu.memory_space<vmem>>, vector<16xf32>,
    %swap3A_81 = arith.constant 5 : i32
    %swap3A_82 = arith.index_cast %swap3A_81 : i32 to index
    %swap3A_83 = arith.constant 0 : index
    %swap3A_84 = tpu.vector_load %arg10[%swap3A_82, %swap3A_83] {strides = array<i32>} : memref<16x16xf32, #tpu.memory_space<vmem>>, vector<16xf32>,
    tpu.vector_store %arg10[%swap3A_82, %swap3A_83], %broadcast_in_dim3A_41 {strides = array<i32>} : memref<16x16xf32, #tpu.memory_space<vmem>>, vector<16xf32>,
    %swap3A_85 = arith.constant 5 : i32
    %swap3A_86 = arith.index_cast %swap3A_85 : i32 to index
    %swap3A_87 = arith.constant 0 : index
    %swap3A_88 = tpu.vector_load %arg11[%swap3A_86, %swap3A_87] {strides = array<i32>} : memref<16x16xf32, #tpu.memory_space<vmem>>, vector<16xf32>,
    tpu.vector_store %arg11[%swap3A_86, %swap3A_87], %broadcast_in_dim3A_41 {strides = array<i32>} : memref<16x16xf32, #tpu.memory_space<vmem>>, vector<16xf32>,
    %swap3A_89 = arith.constant 6 : i32
    %swap3A_90 = arith.index_cast %swap3A_89 : i32 to index
    %swap3A_91 = arith.constant 0 : index
    %swap3A_92 = tpu.vector_load %arg10[%swap3A_90, %swap3A_91] {strides = array<i32>} : memref<16x16xf32, #tpu.memory_space<vmem>>, vector<16xf32>,
    tpu.vector_store %arg10[%swap3A_90, %swap3A_91], %broadcast_in_dim3A_41 {strides = array<i32>} : memref<16x16xf32, #tpu.memory_space<vmem>>, vector<16xf32>,
    %swap3A_93 = arith.constant 6 : i32
    %swap3A_94 = arith.index_cast %swap3A_93 : i32 to index
    %swap3A_95 = arith.constant 0 : index
    %swap3A_96 = tpu.vector_load %arg11[%swap3A_94, %swap3A_95] {strides = array<i32>} : memref<16x16xf32, #tpu.memory_space<vmem>>, vector<16xf32>,
    tpu.vector_store %arg11[%swap3A_94, %swap3A_95], %broadcast_in_dim3A_41 {strides = array<i32>} : memref<16x16xf32, #tpu.memory_space<vmem>>, vector<16xf32>,
    %swap3A_97 = arith.constant 7 : i32
    %swap3A_98 = arith.index_cast %swap3A_97 : i32 to index
    %swap3A_99 = arith.constant 0 : index
    %swap3A_100 = tpu.vector_load %arg10[%swap3A_98, %swap3A_99] {strides = array<i32>} : memref<16x16xf32, #tpu.memory_space<vmem>>, vector<16xf32>,
    tpu.vector_store %arg10[%swap3A_98, %swap3A_99], %broadcast_in_dim3A_41 {strides = array<i32>} : memref<16x16xf32, #tpu.memory_space<vmem>>, vector<16xf32>,
    %swap3A_101 = arith.constant 7 : i32
    %swap3A_102 = arith.index_cast %swap3A_101 : i32 to index
    %swap3A_103 = arith.constant 0 : index
    %swap3A_104 = tpu.vector_load %arg11[%swap3A_102, %swap3A_103] {strides = array<i32>} : memref<16x16xf32, #tpu.memory_space<vmem>>, vector<16xf32>,
    tpu.vector_store %arg11[%swap3A_102, %swap3A_103], %broadcast_in_dim3A_41 {strides = array<i32>} : memref<16x16xf32, #tpu.memory_space<vmem>>, vector<16xf32>,
    %swap3A_105 = arith.constant 8 : i32
    %swap3A_106 = arith.index_cast %swap3A_105 : i32 to index
    %swap3A_107 = arith.constant 0 : index
    %swap3A_108 = tpu.vector_load %arg10[%swap3A_106, %swap3A_107] {strides = array<i32>} : memref<16x16xf32, #tpu.memory_space<vmem>>, vector<16xf32>,
    tpu.vector_store %arg10[%swap3A_106, %swap3A_107], %broadcast_in_dim3A_41 {strides = array<i32>} : memref<16x16xf32, #tpu.memory_space<vmem>>, vector<16xf32>,
    %swap3A_109 = arith.constant 8 : i32
    %swap3A_110 = arith.index_cast %swap3A_109 : i32 to index
    %swap3A_111 = arith.constant 0 : index
    %swap3A_112 = tpu.vector_load %arg11[%swap3A_110, %swap3A_111] {strides = array<i32>} : memref<16x16xf32, #tpu.memory_space<vmem>>, vector<16xf32>,
    tpu.vector_store %arg11[%swap3A_110, %swap3A_111], %broadcast_in_dim3A_41 {strides = array<i32>} : memref<16x16xf32, #tpu.memory_space<vmem>>, vector<16xf32>,
    %swap3A_113 = arith.constant 9 : i32
    %swap3A_114 = arith.index_cast %swap3A_113 : i32 to index
    %swap3A_115 = arith.constant 0 : index
    %swap3A_116 = tpu.vector_load %arg10[%swap3A_114, %swap3A_115] {strides = array<i32>} : memref<16x16xf32, #tpu.memory_space<vmem>>, vector<16xf32>,
    tpu.vector_store %arg10[%swap3A_114, %swap3A_115], %broadcast_in_dim3A_41 {strides = array<i32>} : memref<16x16xf32, #tpu.memory_space<vmem>>, vector<16xf32>,
    %swap3A_117 = arith.constant 9 : i32
    %swap3A_118 = arith.index_cast %swap3A_117 : i32 to index
    %swap3A_119 = arith.constant 0 : index
    %swap3A_120 = tpu.vector_load %arg11[%swap3A_118, %swap3A_119] {strides = array<i32>} : memref<16x16xf32, #tpu.memory_space<vmem>>, vector<16xf32>,
    tpu.vector_store %arg11[%swap3A_118, %swap3A_119], %broadcast_in_dim3A_41 {strides = array<i32>} : memref<16x16xf32, #tpu.memory_space<vmem>>, vector<16xf32>,
    %swap3A_121 = arith.constant 10 : i32
    %swap3A_122 = arith.index_cast %swap3A_121 : i32 to index
    %swap3A_123 = arith.constant 0 : index
    %swap3A_124 = tpu.vector_load %arg10[%swap3A_122, %swap3A_123] {strides = array<i32>} : memref<16x16xf32, #tpu.memory_space<vmem>>, vector<16xf32>,
    tpu.vector_store %arg10[%swap3A_122, %swap3A_123], %broadcast_in_dim3A_41 {strides = array<i32>} : memref<16x16xf32, #tpu.memory_space<vmem>>, vector<16xf32>,
    %swap3A_125 = arith.constant 10 : i32
    %swap3A_126 = arith.index_cast %swap3A_125 : i32 to index
    %swap3A_127 = arith.constant 0 : index
    %swap3A_128 = tpu.vector_load %arg11[%swap3A_126, %swap3A_127] {strides = array<i32>} : memref<16x16xf32, #tpu.memory_space<vmem>>, vector<16xf32>,
    tpu.vector_store %arg11[%swap3A_126, %swap3A_127], %broadcast_in_dim3A_41 {strides = array<i32>} : memref<16x16xf32, #tpu.memory_space<vmem>>, vector<16xf32>,
    %swap3A_129 = arith.constant 11 : i32
    %swap3A_130 = arith.index_cast %swap3A_129 : i32 to index
    %swap3A_131 = arith.constant 0 : index
    %swap3A_132 = tpu.vector_load %arg10[%swap3A_130, %swap3A_131] {strides = array<i32>} : memref<16x16xf32, #tpu.memory_space<vmem>>, vector<16xf32>,
    tpu.vector_store %arg10[%swap3A_130, %swap3A_131], %broadcast_in_dim3A_41 {strides = array<i32>} : memref<16x16xf32, #tpu.memory_space<vmem>>, vector<16xf32>,
    %swap3A_133 = arith.constant 11 : i32
    %swap3A_134 = arith.index_cast %swap3A_133 : i32 to index
    %swap3A_135 = arith.constant 0 : index
    %swap3A_136 = tpu.vector_load %arg11[%swap3A_134, %swap3A_135] {strides = array<i32>} : memref<16x16xf32, #tpu.memory_space<vmem>>, vector<16xf32>,
    tpu.vector_store %arg11[%swap3A_134, %swap3A_135], %broadcast_in_dim3A_41 {strides = array<i32>} : memref<16x16xf32, #tpu.memory_space<vmem>>, vector<16xf32>,
    %swap3A_137 = arith.constant 12 : i32
    %swap3A_138 = arith.index_cast %swap3A_137 : i32 to index
    %swap3A_139 = arith.constant 0 : index
    %swap3A_140 = tpu.vector_load %arg10[%swap3A_138, %swap3A_139] {strides = array<i32>} : memref<16x16xf32, #tpu.memory_space<vmem>>, vector<16xf32>,
    tpu.vector_store %arg10[%swap3A_138, %swap3A_139], %broadcast_in_dim3A_41 {strides = array<i32>} : memref<16x16xf32, #tpu.memory_space<vmem>>, vector<16xf32>,
    %swap3A_141 = arith.constant 12 : i32
    %swap3A_142 = arith.index_cast %swap3A_141 : i32 to index
    %swap3A_143 = arith.constant 0 : index
    %swap3A_144 = tpu.vector_load %arg11[%swap3A_142, %swap3A_143] {strides = array<i32>} : memref<16x16xf32, #tpu.memory_space<vmem>>, vector<16xf32>,
    tpu.vector_store %arg11[%swap3A_142, %swap3A_143], %broadcast_in_dim3A_41 {strides = array<i32>} : memref<16x16xf32, #tpu.memory_space<vmem>>, vector<16xf32>,
    %swap3A_145 = arith.constant 13 : i32
    %swap3A_146 = arith.index_cast %swap3A_145 : i32 to index
    %swap3A_147 = arith.constant 0 : index
    %swap3A_148 = tpu.vector_load %arg10[%swap3A_146, %swap3A_147] {strides = array<i32>} : memref<16x16xf32, #tpu.memory_space<vmem>>, vector<16xf32>,
    tpu.vector_store %arg10[%swap3A_146, %swap3A_147], %broadcast_in_dim3A_41 {strides = array<i32>} : memref<16x16xf32, #tpu.memory_space<vmem>>, vector<16xf32>,
    %swap3A_149 = arith.constant 13 : i32
    %swap3A_150 = arith.index_cast %swap3A_149 : i32 to index
    %swap3A_151 = arith.constant 0 : index
    %swap3A_152 = tpu.vector_load %arg11[%swap3A_150, %swap3A_151] {strides = array<i32>} : memref<16x16xf32, #tpu.memory_space<vmem>>, vector<16xf32>,
    tpu.vector_store %arg11[%swap3A_150, %swap3A_151], %broadcast_in_dim3A_41 {strides = array<i32>} : memref<16x16xf32, #tpu.memory_space<vmem>>, vector<16xf32>,
    %swap3A_153 = arith.constant 14 : i32
    %swap3A_154 = arith.index_cast %swap3A_153 : i32 to index
    %swap3A_155 = arith.constant 0 : index
    %swap3A_156 = tpu.vector_load %arg10[%swap3A_154, %swap3A_155] {strides = array<i32>} : memref<16x16xf32, #tpu.memory_space<vmem>>, vector<16xf32>,
    tpu.vector_store %arg10[%swap3A_154, %swap3A_155], %broadcast_in_dim3A_41 {strides = array<i32>} : memref<16x16xf32, #tpu.memory_space<vmem>>, vector<16xf32>,
    %swap3A_157 = arith.constant 14 : i32
    %swap3A_158 = arith.index_cast %swap3A_157 : i32 to index
    %swap3A_159 = arith.constant 0 : index
    %swap3A_160 = tpu.vector_load %arg11[%swap3A_158, %swap3A_159] {strides = array<i32>} : memref<16x16xf32, #tpu.memory_space<vmem>>, vector<16xf32>,
    tpu.vector_store %arg11[%swap3A_158, %swap3A_159], %broadcast_in_dim3A_41 {strides = array<i32>} : memref<16x16xf32, #tpu.memory_space<vmem>>, vector<16xf32>,
    %swap3A_161 = arith.constant 15 : i32
    %swap3A_162 = arith.index_cast %swap3A_161 : i32 to index
    %swap3A_163 = arith.constant 0 : index
    %swap3A_164 = tpu.vector_load %arg10[%swap3A_162, %swap3A_163] {strides = array<i32>} : memref<16x16xf32, #tpu.memory_space<vmem>>, vector<16xf32>,
    tpu.vector_store %arg10[%swap3A_162, %swap3A_163], %broadcast_in_dim3A_41 {strides = array<i32>} : memref<16x16xf32, #tpu.memory_space<vmem>>, vector<16xf32>,
    %swap3A_165 = arith.constant 15 : i32
    %swap3A_166 = arith.index_cast %swap3A_165 : i32 to index
    %swap3A_167 = arith.constant 0 : index
    %swap3A_168 = tpu.vector_load %arg11[%swap3A_166, %swap3A_167] {strides = array<i32>} : memref<16x16xf32, #tpu.memory_space<vmem>>, vector<16xf32>,
    tpu.vector_store %arg11[%swap3A_166, %swap3A_167], %broadcast_in_dim3A_41 {strides = array<i32>} : memref<16x16xf32, #tpu.memory_space<vmem>>, vector<16xf32>,
    %iota3A = tpu.iota {dimensions = array<i32: 0>} : vector<16xi32>
    %dma_wait3A = arith.constant 0 : i32
    %dma_wait3A_169 = tpu.memref_slice %arg7[%dma_wait3A] : memref<3120xf32, #tpu.memory_space<vmem>> -> memref<1568xf32, #tpu.memory_space<vmem>>
    %dma_wait3A_170 = tpu.memref_slice %arg2[%multiple_of3A] : memref<100000xf32, #tpu.memory_space<hbm>> -> memref<1568xf32, #tpu.memory_space<hbm>>
    %dma_wait3A_171 = arith.constant 0 : i32
    %dma_wait3A_172 = tpu.memref_slice %arg7[%dma_wait3A_171] : memref<3120xf32, #tpu.memory_space<vmem>> -> memref<1568xf32, #tpu.memory_space<vmem>>
    %dma_wait3A_173 = tpu.memref_slice %arg2[%multiple_of3A] : memref<100000xf32, #tpu.memory_space<hbm>> -> memref<1568xf32, #tpu.memory_space<hbm>>
    tpu.wait_dma2 semaphore(%arg14 : memref<!tpu.dma_semaphore, #tpu.memory_space<semaphore_mem>>) src(%dma_wait3A_173 : memref<1568xf32, #tpu.memory_space<hbm>>) dst(%dma_wait3A_172 : memref<1568xf32, #tpu.memory_space<vmem>>)
    %dma_wait3A_174 = arith.constant 0 : i32
    %dma_wait3A_175 = tpu.memref_slice %arg8[%dma_wait3A_174] : memref<3120xf32, #tpu.memory_space<vmem>> -> memref<1568xf32, #tpu.memory_space<vmem>>
    %dma_wait3A_176 = tpu.memref_slice %arg3[%multiple_of3A] : memref<100000xf32, #tpu.memory_space<hbm>> -> memref<1568xf32, #tpu.memory_space<hbm>>
    %dma_wait3A_177 = arith.constant 0 : i32
    %dma_wait3A_178 = tpu.memref_slice %arg8[%dma_wait3A_177] : memref<3120xf32, #tpu.memory_space<vmem>> -> memref<1568xf32, #tpu.memory_space<vmem>>
    %dma_wait3A_179 = tpu.memref_slice %arg3[%multiple_of3A] : memref<100000xf32, #tpu.memory_space<hbm>> -> memref<1568xf32, #tpu.memory_space<hbm>>
    tpu.wait_dma2 semaphore(%arg15 : memref<!tpu.dma_semaphore, #tpu.memory_space<semaphore_mem>>) src(%dma_wait3A_179 : memref<1568xf32, #tpu.memory_space<hbm>>) dst(%dma_wait3A_178 : memref<1568xf32, #tpu.memory_space<vmem>>)
    %dma_wait3A_180 = arith.constant 0 : i32
    %dma_wait3A_181 = tpu.memref_slice %arg9[%dma_wait3A_180] : memref<3120xi32, #tpu.memory_space<vmem>> -> memref<1568xi32, #tpu.memory_space<vmem>>
    %dma_wait3A_182 = tpu.memref_slice %arg4[%multiple_of3A] : memref<100000xi32, #tpu.memory_space<hbm>> -> memref<1568xi32, #tpu.memory_space<hbm>>
    %dma_wait3A_183 = arith.constant 0 : i32
    %dma_wait3A_184 = tpu.memref_slice %arg9[%dma_wait3A_183] : memref<3120xi32, #tpu.memory_space<vmem>> -> memref<1568xi32, #tpu.memory_space<vmem>>
    %dma_wait3A_185 = tpu.memref_slice %arg4[%multiple_of3A] : memref<100000xi32, #tpu.memory_space<hbm>> -> memref<1568xi32, #tpu.memory_space<hbm>>
    tpu.wait_dma2 semaphore(%arg16 : memref<!tpu.dma_semaphore, #tpu.memory_space<semaphore_mem>>) src(%dma_wait3A_185 : memref<1568xi32, #tpu.memory_space<hbm>>) dst(%dma_wait3A_184 : memref<1568xi32, #tpu.memory_space<vmem>>)
    %scan3A = arith.constant 0 : i32
    %scan3A_186 = arith.constant 0 : i32
    %scan3A_187 = arith.constant 48 : i32
    %scan3A_188 = arith.addi %scan3A_186, %scan3A_187 : i32
    %scan3A_189 = arith.constant 4 : i32
    scf.for %scan3A_415 = %scan3A_186 to %scan3A_188 step %scan3A_189  : i32 {
      %mul3A_416 = arith.constant 32 : i32
      %mul3A_417 = arith.muli %scan3A_415, %mul3A_416 : i32
      %add3A_418 = arith.constant 0 : i32
      %add3A_419 = arith.addi %add3A_418, %mul3A_417 : i32
      %get3A_420 = arith.index_cast %add3A_419 : i32 to index
      %get3A_421 = tpu.vector_load %arg7[%get3A_420] {strides = array<i32>} : memref<3120xf32, #tpu.memory_space<vmem>>, vector<16xf32>,
      %get3A_422 = arith.index_cast %add3A_419 : i32 to index
      %get3A_423 = tpu.vector_load %arg8[%get3A_422] {strides = array<i32>} : memref<3120xf32, #tpu.memory_space<vmem>>, vector<16xf32>,
      %mul3A_424 = arith.mulf %get3A_421, %get3A_423 : vector<16xf32>
      %get3A_425 = arith.index_cast %add3A_419 : i32 to index
      %get3A_426 = tpu.vector_load %arg9[%get3A_425] {strides = array<i32>} : memref<3120xi32, #tpu.memory_space<vmem>>, vector<16xi32>,
      tpu.vector_store_idx %arg10[%iota3A, %get3A_426], %mul3A_424 {add = true} : memref<16x16xf32, #tpu.memory_space<vmem>>[vector<16xi32>, vector<16xi32>], vector<16xf32>,
      %add3A_427 = arith.constant 16 : i32
      %add3A_428 = arith.addi %add3A_419, %add3A_427 : i32
      %get3A_429 = arith.index_cast %add3A_428 : i32 to index
      %get3A_430 = tpu.vector_load %arg7[%get3A_429] {strides = array<i32>} : memref<3120xf32, #tpu.memory_space<vmem>>, vector<16xf32>,
      %add3A_431 = arith.constant 16 : i32
      %add3A_432 = arith.addi %add3A_419, %add3A_431 : i32
      %get3A_433 = arith.index_cast %add3A_432 : i32 to index
      %get3A_434 = tpu.vector_load %arg8[%get3A_433] {strides = array<i32>} : memref<3120xf32, #tpu.memory_space<vmem>>, vector<16xf32>,
      %mul3A_435 = arith.mulf %get3A_430, %get3A_434 : vector<16xf32>
      %add3A_436 = arith.constant 16 : i32
      %add3A_437 = arith.addi %add3A_419, %add3A_436 : i32
      %get3A_438 = arith.index_cast %add3A_437 : i32 to index
      %get3A_439 = tpu.vector_load %arg9[%get3A_438] {strides = array<i32>} : memref<3120xi32, #tpu.memory_space<vmem>>, vector<16xi32>,
      tpu.vector_store_idx %arg11[%iota3A, %get3A_439], %mul3A_435 {add = true} : memref<16x16xf32, #tpu.memory_space<vmem>>[vector<16xi32>, vector<16xi32>], vector<16xf32>,
      %scan3A_440 = arith.constant 1 : i32
      %scan3A_441 = arith.addi %scan3A_415, %scan3A_440 : i32
      %mul3A_442 = arith.constant 32 : i32
      %mul3A_443 = arith.muli %scan3A_441, %mul3A_442 : i32
      %add3A_444 = arith.constant 0 : i32
      %add3A_445 = arith.addi %add3A_444, %mul3A_443 : i32
      %get3A_446 = arith.index_cast %add3A_445 : i32 to index
      %get3A_447 = tpu.vector_load %arg7[%get3A_446] {strides = array<i32>} : memref<3120xf32, #tpu.memory_space<vmem>>, vector<16xf32>,
      %get3A_448 = arith.index_cast %add3A_445 : i32 to index
      %get3A_449 = tpu.vector_load %arg8[%get3A_448] {strides = array<i32>} : memref<3120xf32, #tpu.memory_space<vmem>>, vector<16xf32>,
      %mul3A_450 = arith.mulf %get3A_447, %get3A_449 : vector<16xf32>
      %get3A_451 = arith.index_cast %add3A_445 : i32 to index
      %get3A_452 = tpu.vector_load %arg9[%get3A_451] {strides = array<i32>} : memref<3120xi32, #tpu.memory_space<vmem>>, vector<16xi32>,
      tpu.vector_store_idx %arg10[%iota3A, %get3A_452], %mul3A_450 {add = true} : memref<16x16xf32, #tpu.memory_space<vmem>>[vector<16xi32>, vector<16xi32>], vector<16xf32>,
      %add3A_453 = arith.constant 16 : i32
      %add3A_454 = arith.addi %add3A_445, %add3A_453 : i32
      %get3A_455 = arith.index_cast %add3A_454 : i32 to index
      %get3A_456 = tpu.vector_load %arg7[%get3A_455] {strides = array<i32>} : memref<3120xf32, #tpu.memory_space<vmem>>, vector<16xf32>,
      %add3A_457 = arith.constant 16 : i32
      %add3A_458 = arith.addi %add3A_445, %add3A_457 : i32
      %get3A_459 = arith.index_cast %add3A_458 : i32 to index
      %get3A_460 = tpu.vector_load %arg8[%get3A_459] {strides = array<i32>} : memref<3120xf32, #tpu.memory_space<vmem>>, vector<16xf32>,
      %mul3A_461 = arith.mulf %get3A_456, %get3A_460 : vector<16xf32>
      %add3A_462 = arith.constant 16 : i32
      %add3A_463 = arith.addi %add3A_445, %add3A_462 : i32
      %get3A_464 = arith.index_cast %add3A_463 : i32 to index
      %get3A_465 = tpu.vector_load %arg9[%get3A_464] {strides = array<i32>} : memref<3120xi32, #tpu.memory_space<vmem>>, vector<16xi32>,
      tpu.vector_store_idx %arg11[%iota3A, %get3A_465], %mul3A_461 {add = true} : memref<16x16xf32, #tpu.memory_space<vmem>>[vector<16xi32>, vector<16xi32>], vector<16xf32>,
      %scan3A_466 = arith.constant 2 : i32
      %scan3A_467 = arith.addi %scan3A_415, %scan3A_466 : i32
      %mul3A_468 = arith.constant 32 : i32
      %mul3A_469 = arith.muli %scan3A_467, %mul3A_468 : i32
      %add3A_470 = arith.constant 0 : i32
      %add3A_471 = arith.addi %add3A_470, %mul3A_469 : i32
      %get3A_472 = arith.index_cast %add3A_471 : i32 to index
      %get3A_473 = tpu.vector_load %arg7[%get3A_472] {strides = array<i32>} : memref<3120xf32, #tpu.memory_space<vmem>>, vector<16xf32>,
      %get3A_474 = arith.index_cast %add3A_471 : i32 to index
      %get3A_475 = tpu.vector_load %arg8[%get3A_474] {strides = array<i32>} : memref<3120xf32, #tpu.memory_space<vmem>>, vector<16xf32>,
      %mul3A_476 = arith.mulf %get3A_473, %get3A_475 : vector<16xf32>
      %get3A_477 = arith.index_cast %add3A_471 : i32 to index
      %get3A_478 = tpu.vector_load %arg9[%get3A_477] {strides = array<i32>} : memref<3120xi32, #tpu.memory_space<vmem>>, vector<16xi32>,
      tpu.vector_store_idx %arg10[%iota3A, %get3A_478], %mul3A_476 {add = true} : memref<16x16xf32, #tpu.memory_space<vmem>>[vector<16xi32>, vector<16xi32>], vector<16xf32>,
      %add3A_479 = arith.constant 16 : i32
      %add3A_480 = arith.addi %add3A_471, %add3A_479 : i32
      %get3A_481 = arith.index_cast %add3A_480 : i32 to index
      %get3A_482 = tpu.vector_load %arg7[%get3A_481] {strides = array<i32>} : memref<3120xf32, #tpu.memory_space<vmem>>, vector<16xf32>,
      %add3A_483 = arith.constant 16 : i32
      %add3A_484 = arith.addi %add3A_471, %add3A_483 : i32
      %get3A_485 = arith.index_cast %add3A_484 : i32 to index
      %get3A_486 = tpu.vector_load %arg8[%get3A_485] {strides = array<i32>} : memref<3120xf32, #tpu.memory_space<vmem>>, vector<16xf32>,
      %mul3A_487 = arith.mulf %get3A_482, %get3A_486 : vector<16xf32>
      %add3A_488 = arith.constant 16 : i32
      %add3A_489 = arith.addi %add3A_471, %add3A_488 : i32
      %get3A_490 = arith.index_cast %add3A_489 : i32 to index
      %get3A_491 = tpu.vector_load %arg9[%get3A_490] {strides = array<i32>} : memref<3120xi32, #tpu.memory_space<vmem>>, vector<16xi32>,
      tpu.vector_store_idx %arg11[%iota3A, %get3A_491], %mul3A_487 {add = true} : memref<16x16xf32, #tpu.memory_space<vmem>>[vector<16xi32>, vector<16xi32>], vector<16xf32>,
      %scan3A_492 = arith.constant 3 : i32
      %scan3A_493 = arith.addi %scan3A_415, %scan3A_492 : i32
      %mul3A_494 = arith.constant 32 : i32
      %mul3A_495 = arith.muli %scan3A_493, %mul3A_494 : i32
      %add3A_496 = arith.constant 0 : i32
      %add3A_497 = arith.addi %add3A_496, %mul3A_495 : i32
      %get3A_498 = arith.index_cast %add3A_497 : i32 to index
      %get3A_499 = tpu.vector_load %arg7[%get3A_498] {strides = array<i32>} : memref<3120xf32, #tpu.memory_space<vmem>>, vector<16xf32>,
      %get3A_500 = arith.index_cast %add3A_497 : i32 to index
      %get3A_501 = tpu.vector_load %arg8[%get3A_500] {strides = array<i32>} : memref<3120xf32, #tpu.memory_space<vmem>>, vector<16xf32>,
      %mul3A_502 = arith.mulf %get3A_499, %get3A_501 : vector<16xf32>
      %get3A_503 = arith.index_cast %add3A_497 : i32 to index
      %get3A_504 = tpu.vector_load %arg9[%get3A_503] {strides = array<i32>} : memref<3120xi32, #tpu.memory_space<vmem>>, vector<16xi32>,
      tpu.vector_store_idx %arg10[%iota3A, %get3A_504], %mul3A_502 {add = true} : memref<16x16xf32, #tpu.memory_space<vmem>>[vector<16xi32>, vector<16xi32>], vector<16xf32>,
      %add3A_505 = arith.constant 16 : i32
      %add3A_506 = arith.addi %add3A_497, %add3A_505 : i32
      %get3A_507 = arith.index_cast %add3A_506 : i32 to index
      %get3A_508 = tpu.vector_load %arg7[%get3A_507] {strides = array<i32>} : memref<3120xf32, #tpu.memory_space<vmem>>, vector<16xf32>,
      %add3A_509 = arith.constant 16 : i32
      %add3A_510 = arith.addi %add3A_497, %add3A_509 : i32
      %get3A_511 = arith.index_cast %add3A_510 : i32 to index
      %get3A_512 = tpu.vector_load %arg8[%get3A_511] {strides = array<i32>} : memref<3120xf32, #tpu.memory_space<vmem>>, vector<16xf32>,
      %mul3A_513 = arith.mulf %get3A_508, %get3A_512 : vector<16xf32>
      %add3A_514 = arith.constant 16 : i32
      %add3A_515 = arith.addi %add3A_497, %add3A_514 : i32
      %get3A_516 = arith.index_cast %add3A_515 : i32 to index
      %get3A_517 = tpu.vector_load %arg9[%get3A_516] {strides = array<i32>} : memref<3120xi32, #tpu.memory_space<vmem>>, vector<16xi32>,
      tpu.vector_store_idx %arg11[%iota3A, %get3A_517], %mul3A_513 {add = true} : memref<16x16xf32, #tpu.memory_space<vmem>>[vector<16xi32>, vector<16xi32>], vector<16xf32>,
    }
    %scan3A_190 = arith.constant 48 : i32
    %scan3A_191 = arith.addi %scan3A_186, %scan3A_190 : i32
    %mul3A_192 = arith.constant 32 : i32
    %mul3A_193 = arith.muli %scan3A_191, %mul3A_192 : i32
    %add3A_194 = arith.constant 0 : i32
    %add3A_195 = arith.addi %add3A_194, %mul3A_193 : i32
    %get3A = arith.index_cast %add3A_195 : i32 to index
    %get3A_196 = tpu.vector_load %arg7[%get3A] {strides = array<i32>} : memref<3120xf32, #tpu.memory_space<vmem>>, vector<16xf32>,
    %get3A_197 = arith.index_cast %add3A_195 : i32 to index
    %get3A_198 = tpu.vector_load %arg8[%get3A_197] {strides = array<i32>} : memref<3120xf32, #tpu.memory_space<vmem>>, vector<16xf32>,
    %mul3A_199 = arith.mulf %get3A_196, %get3A_198 : vector<16xf32>
    %get3A_200 = arith.index_cast %add3A_195 : i32 to index
    %get3A_201 = tpu.vector_load %arg9[%get3A_200] {strides = array<i32>} : memref<3120xi32, #tpu.memory_space<vmem>>, vector<16xi32>,
    tpu.vector_store_idx %arg10[%iota3A, %get3A_201], %mul3A_199 {add = true} : memref<16x16xf32, #tpu.memory_space<vmem>>[vector<16xi32>, vector<16xi32>], vector<16xf32>,
    %add3A_202 = arith.constant 16 : i32
    %add3A_203 = arith.addi %add3A_195, %add3A_202 : i32
    %get3A_204 = arith.index_cast %add3A_203 : i32 to index
    %get3A_205 = tpu.vector_load %arg7[%get3A_204] {strides = array<i32>} : memref<3120xf32, #tpu.memory_space<vmem>>, vector<16xf32>,
    %add3A_206 = arith.constant 16 : i32
    %add3A_207 = arith.addi %add3A_195, %add3A_206 : i32
    %get3A_208 = arith.index_cast %add3A_207 : i32 to index
    %get3A_209 = tpu.vector_load %arg8[%get3A_208] {strides = array<i32>} : memref<3120xf32, #tpu.memory_space<vmem>>, vector<16xf32>,
    %mul3A_210 = arith.mulf %get3A_205, %get3A_209 : vector<16xf32>
    %add3A_211 = arith.constant 16 : i32
    %add3A_212 = arith.addi %add3A_195, %add3A_211 : i32
    %get3A_213 = arith.index_cast %add3A_212 : i32 to index
    %get3A_214 = tpu.vector_load %arg9[%get3A_213] {strides = array<i32>} : memref<3120xi32, #tpu.memory_space<vmem>>, vector<16xi32>,
    tpu.vector_store_idx %arg11[%iota3A, %get3A_214], %mul3A_210 {add = true} : memref<16x16xf32, #tpu.memory_space<vmem>>[vector<16xi32>, vector<16xi32>], vector<16xf32>,
    %scan3A_215 = arith.constant 49 : i32
    %dma_wait3A_216 = arith.constant 1568 : i32
    %dma_wait3A_217 = tpu.memref_slice %arg7[%dma_wait3A_216] : memref<3120xf32, #tpu.memory_space<vmem>> -> memref<1552xf32, #tpu.memory_space<vmem>>
    %dma_wait3A_218 = tpu.memref_slice %arg2[%multiple_of3A_5] : memref<100000xf32, #tpu.memory_space<hbm>> -> memref<1552xf32, #tpu.memory_space<hbm>>
    %dma_wait3A_219 = arith.constant 1568 : i32
    %dma_wait3A_220 = tpu.memref_slice %arg7[%dma_wait3A_219] : memref<3120xf32, #tpu.memory_space<vmem>> -> memref<1552xf32, #tpu.memory_space<vmem>>
    %dma_wait3A_221 = tpu.memref_slice %arg2[%multiple_of3A_5] : memref<100000xf32, #tpu.memory_space<hbm>> -> memref<1552xf32, #tpu.memory_space<hbm>>
    tpu.wait_dma2 semaphore(%arg17 : memref<!tpu.dma_semaphore, #tpu.memory_space<semaphore_mem>>) src(%dma_wait3A_221 : memref<1552xf32, #tpu.memory_space<hbm>>) dst(%dma_wait3A_220 : memref<1552xf32, #tpu.memory_space<vmem>>)
    %dma_wait3A_222 = arith.constant 1568 : i32
    %dma_wait3A_223 = tpu.memref_slice %arg8[%dma_wait3A_222] : memref<3120xf32, #tpu.memory_space<vmem>> -> memref<1552xf32, #tpu.memory_space<vmem>>
    %dma_wait3A_224 = tpu.memref_slice %arg3[%multiple_of3A_5] : memref<100000xf32, #tpu.memory_space<hbm>> -> memref<1552xf32, #tpu.memory_space<hbm>>
    %dma_wait3A_225 = arith.constant 1568 : i32
    %dma_wait3A_226 = tpu.memref_slice %arg8[%dma_wait3A_225] : memref<3120xf32, #tpu.memory_space<vmem>> -> memref<1552xf32, #tpu.memory_space<vmem>>
    %dma_wait3A_227 = tpu.memref_slice %arg3[%multiple_of3A_5] : memref<100000xf32, #tpu.memory_space<hbm>> -> memref<1552xf32, #tpu.memory_space<hbm>>
    tpu.wait_dma2 semaphore(%arg18 : memref<!tpu.dma_semaphore, #tpu.memory_space<semaphore_mem>>) src(%dma_wait3A_227 : memref<1552xf32, #tpu.memory_space<hbm>>) dst(%dma_wait3A_226 : memref<1552xf32, #tpu.memory_space<vmem>>)
    %dma_wait3A_228 = arith.constant 1568 : i32
    %dma_wait3A_229 = tpu.memref_slice %arg9[%dma_wait3A_228] : memref<3120xi32, #tpu.memory_space<vmem>> -> memref<1552xi32, #tpu.memory_space<vmem>>
    %dma_wait3A_230 = tpu.memref_slice %arg4[%multiple_of3A_5] : memref<100000xi32, #tpu.memory_space<hbm>> -> memref<1552xi32, #tpu.memory_space<hbm>>
    %dma_wait3A_231 = arith.constant 1568 : i32
    %dma_wait3A_232 = tpu.memref_slice %arg9[%dma_wait3A_231] : memref<3120xi32, #tpu.memory_space<vmem>> -> memref<1552xi32, #tpu.memory_space<vmem>>
    %dma_wait3A_233 = tpu.memref_slice %arg4[%multiple_of3A_5] : memref<100000xi32, #tpu.memory_space<hbm>> -> memref<1552xi32, #tpu.memory_space<hbm>>
    tpu.wait_dma2 semaphore(%arg19 : memref<!tpu.dma_semaphore, #tpu.memory_space<semaphore_mem>>) src(%dma_wait3A_233 : memref<1552xi32, #tpu.memory_space<hbm>>) dst(%dma_wait3A_232 : memref<1552xi32, #tpu.memory_space<vmem>>)
    %scan3A_234 = arith.constant 0 : i32
    %scan3A_235 = arith.constant 0 : i32
    %scan3A_236 = arith.constant 48 : i32
    %scan3A_237 = arith.addi %scan3A_235, %scan3A_236 : i32
    %scan3A_238 = arith.constant 4 : i32
    scf.for %scan3A_415 = %scan3A_235 to %scan3A_237 step %scan3A_238  : i32 {
      %mul3A_416 = arith.constant 32 : i32
      %mul3A_417 = arith.muli %scan3A_415, %mul3A_416 : i32
      %add3A_418 = arith.constant 1568 : i32
      %add3A_419 = arith.addi %add3A_418, %mul3A_417 : i32
      %get3A_420 = arith.index_cast %add3A_419 : i32 to index
      %get3A_421 = tpu.vector_load %arg7[%get3A_420] {strides = array<i32>} : memref<3120xf32, #tpu.memory_space<vmem>>, vector<16xf32>,
      %get3A_422 = arith.index_cast %add3A_419 : i32 to index
      %get3A_423 = tpu.vector_load %arg8[%get3A_422] {strides = array<i32>} : memref<3120xf32, #tpu.memory_space<vmem>>, vector<16xf32>,
      %mul3A_424 = arith.mulf %get3A_421, %get3A_423 : vector<16xf32>
      %get3A_425 = arith.index_cast %add3A_419 : i32 to index
      %get3A_426 = tpu.vector_load %arg9[%get3A_425] {strides = array<i32>} : memref<3120xi32, #tpu.memory_space<vmem>>, vector<16xi32>,
      tpu.vector_store_idx %arg10[%iota3A, %get3A_426], %mul3A_424 {add = true} : memref<16x16xf32, #tpu.memory_space<vmem>>[vector<16xi32>, vector<16xi32>], vector<16xf32>,
      %add3A_427 = arith.constant 16 : i32
      %add3A_428 = arith.addi %add3A_419, %add3A_427 : i32
      %get3A_429 = arith.index_cast %add3A_428 : i32 to index
      %get3A_430 = tpu.vector_load %arg7[%get3A_429] {strides = array<i32>} : memref<3120xf32, #tpu.memory_space<vmem>>, vector<16xf32>,
      %add3A_431 = arith.constant 16 : i32
      %add3A_432 = arith.addi %add3A_419, %add3A_431 : i32
      %get3A_433 = arith.index_cast %add3A_432 : i32 to index
      %get3A_434 = tpu.vector_load %arg8[%get3A_433] {strides = array<i32>} : memref<3120xf32, #tpu.memory_space<vmem>>, vector<16xf32>,
      %mul3A_435 = arith.mulf %get3A_430, %get3A_434 : vector<16xf32>
      %add3A_436 = arith.constant 16 : i32
      %add3A_437 = arith.addi %add3A_419, %add3A_436 : i32
      %get3A_438 = arith.index_cast %add3A_437 : i32 to index
      %get3A_439 = tpu.vector_load %arg9[%get3A_438] {strides = array<i32>} : memref<3120xi32, #tpu.memory_space<vmem>>, vector<16xi32>,
      tpu.vector_store_idx %arg11[%iota3A, %get3A_439], %mul3A_435 {add = true} : memref<16x16xf32, #tpu.memory_space<vmem>>[vector<16xi32>, vector<16xi32>], vector<16xf32>,
      %scan3A_440 = arith.constant 1 : i32
      %scan3A_441 = arith.addi %scan3A_415, %scan3A_440 : i32
      %mul3A_442 = arith.constant 32 : i32
      %mul3A_443 = arith.muli %scan3A_441, %mul3A_442 : i32
      %add3A_444 = arith.constant 1568 : i32
      %add3A_445 = arith.addi %add3A_444, %mul3A_443 : i32
      %get3A_446 = arith.index_cast %add3A_445 : i32 to index
      %get3A_447 = tpu.vector_load %arg7[%get3A_446] {strides = array<i32>} : memref<3120xf32, #tpu.memory_space<vmem>>, vector<16xf32>,
      %get3A_448 = arith.index_cast %add3A_445 : i32 to index
      %get3A_449 = tpu.vector_load %arg8[%get3A_448] {strides = array<i32>} : memref<3120xf32, #tpu.memory_space<vmem>>, vector<16xf32>,
      %mul3A_450 = arith.mulf %get3A_447, %get3A_449 : vector<16xf32>
      %get3A_451 = arith.index_cast %add3A_445 : i32 to index
      %get3A_452 = tpu.vector_load %arg9[%get3A_451] {strides = array<i32>} : memref<3120xi32, #tpu.memory_space<vmem>>, vector<16xi32>,
      tpu.vector_store_idx %arg10[%iota3A, %get3A_452], %mul3A_450 {add = true} : memref<16x16xf32, #tpu.memory_space<vmem>>[vector<16xi32>, vector<16xi32>], vector<16xf32>,
      %add3A_453 = arith.constant 16 : i32
      %add3A_454 = arith.addi %add3A_445, %add3A_453 : i32
      %get3A_455 = arith.index_cast %add3A_454 : i32 to index
      %get3A_456 = tpu.vector_load %arg7[%get3A_455] {strides = array<i32>} : memref<3120xf32, #tpu.memory_space<vmem>>, vector<16xf32>,
      %add3A_457 = arith.constant 16 : i32
      %add3A_458 = arith.addi %add3A_445, %add3A_457 : i32
      %get3A_459 = arith.index_cast %add3A_458 : i32 to index
      %get3A_460 = tpu.vector_load %arg8[%get3A_459] {strides = array<i32>} : memref<3120xf32, #tpu.memory_space<vmem>>, vector<16xf32>,
      %mul3A_461 = arith.mulf %get3A_456, %get3A_460 : vector<16xf32>
      %add3A_462 = arith.constant 16 : i32
      %add3A_463 = arith.addi %add3A_445, %add3A_462 : i32
      %get3A_464 = arith.index_cast %add3A_463 : i32 to index
      %get3A_465 = tpu.vector_load %arg9[%get3A_464] {strides = array<i32>} : memref<3120xi32, #tpu.memory_space<vmem>>, vector<16xi32>,
      tpu.vector_store_idx %arg11[%iota3A, %get3A_465], %mul3A_461 {add = true} : memref<16x16xf32, #tpu.memory_space<vmem>>[vector<16xi32>, vector<16xi32>], vector<16xf32>,
      %scan3A_466 = arith.constant 2 : i32
      %scan3A_467 = arith.addi %scan3A_415, %scan3A_466 : i32
      %mul3A_468 = arith.constant 32 : i32
      %mul3A_469 = arith.muli %scan3A_467, %mul3A_468 : i32
      %add3A_470 = arith.constant 1568 : i32
      %add3A_471 = arith.addi %add3A_470, %mul3A_469 : i32
      %get3A_472 = arith.index_cast %add3A_471 : i32 to index
      %get3A_473 = tpu.vector_load %arg7[%get3A_472] {strides = array<i32>} : memref<3120xf32, #tpu.memory_space<vmem>>, vector<16xf32>,
      %get3A_474 = arith.index_cast %add3A_471 : i32 to index
      %get3A_475 = tpu.vector_load %arg8[%get3A_474] {strides = array<i32>} : memref<3120xf32, #tpu.memory_space<vmem>>, vector<16xf32>,
      %mul3A_476 = arith.mulf %get3A_473, %get3A_475 : vector<16xf32>
      %get3A_477 = arith.index_cast %add3A_471 : i32 to index
      %get3A_478 = tpu.vector_load %arg9[%get3A_477] {strides = array<i32>} : memref<3120xi32, #tpu.memory_space<vmem>>, vector<16xi32>,
      tpu.vector_store_idx %arg10[%iota3A, %get3A_478], %mul3A_476 {add = true} : memref<16x16xf32, #tpu.memory_space<vmem>>[vector<16xi32>, vector<16xi32>], vector<16xf32>,
      %add3A_479 = arith.constant 16 : i32
      %add3A_480 = arith.addi %add3A_471, %add3A_479 : i32
      %get3A_481 = arith.index_cast %add3A_480 : i32 to index
      %get3A_482 = tpu.vector_load %arg7[%get3A_481] {strides = array<i32>} : memref<3120xf32, #tpu.memory_space<vmem>>, vector<16xf32>,
      %add3A_483 = arith.constant 16 : i32
      %add3A_484 = arith.addi %add3A_471, %add3A_483 : i32
      %get3A_485 = arith.index_cast %add3A_484 : i32 to index
      %get3A_486 = tpu.vector_load %arg8[%get3A_485] {strides = array<i32>} : memref<3120xf32, #tpu.memory_space<vmem>>, vector<16xf32>,
      %mul3A_487 = arith.mulf %get3A_482, %get3A_486 : vector<16xf32>
      %add3A_488 = arith.constant 16 : i32
      %add3A_489 = arith.addi %add3A_471, %add3A_488 : i32
      %get3A_490 = arith.index_cast %add3A_489 : i32 to index
      %get3A_491 = tpu.vector_load %arg9[%get3A_490] {strides = array<i32>} : memref<3120xi32, #tpu.memory_space<vmem>>, vector<16xi32>,
      tpu.vector_store_idx %arg11[%iota3A, %get3A_491], %mul3A_487 {add = true} : memref<16x16xf32, #tpu.memory_space<vmem>>[vector<16xi32>, vector<16xi32>], vector<16xf32>,
      %scan3A_492 = arith.constant 3 : i32
      %scan3A_493 = arith.addi %scan3A_415, %scan3A_492 : i32
      %mul3A_494 = arith.constant 32 : i32
      %mul3A_495 = arith.muli %scan3A_493, %mul3A_494 : i32
      %add3A_496 = arith.constant 1568 : i32
      %add3A_497 = arith.addi %add3A_496, %mul3A_495 : i32
      %get3A_498 = arith.index_cast %add3A_497 : i32 to index
      %get3A_499 = tpu.vector_load %arg7[%get3A_498] {strides = array<i32>} : memref<3120xf32, #tpu.memory_space<vmem>>, vector<16xf32>,
      %get3A_500 = arith.index_cast %add3A_497 : i32 to index
      %get3A_501 = tpu.vector_load %arg8[%get3A_500] {strides = array<i32>} : memref<3120xf32, #tpu.memory_space<vmem>>, vector<16xf32>,
      %mul3A_502 = arith.mulf %get3A_499, %get3A_501 : vector<16xf32>
      %get3A_503 = arith.index_cast %add3A_497 : i32 to index
      %get3A_504 = tpu.vector_load %arg9[%get3A_503] {strides = array<i32>} : memref<3120xi32, #tpu.memory_space<vmem>>, vector<16xi32>,
      tpu.vector_store_idx %arg10[%iota3A, %get3A_504], %mul3A_502 {add = true} : memref<16x16xf32, #tpu.memory_space<vmem>>[vector<16xi32>, vector<16xi32>], vector<16xf32>,
      %add3A_505 = arith.constant 16 : i32
      %add3A_506 = arith.addi %add3A_497, %add3A_505 : i32
      %get3A_507 = arith.index_cast %add3A_506 : i32 to index
      %get3A_508 = tpu.vector_load %arg7[%get3A_507] {strides = array<i32>} : memref<3120xf32, #tpu.memory_space<vmem>>, vector<16xf32>,
      %add3A_509 = arith.constant 16 : i32
      %add3A_510 = arith.addi %add3A_497, %add3A_509 : i32
      %get3A_511 = arith.index_cast %add3A_510 : i32 to index
      %get3A_512 = tpu.vector_load %arg8[%get3A_511] {strides = array<i32>} : memref<3120xf32, #tpu.memory_space<vmem>>, vector<16xf32>,
      %mul3A_513 = arith.mulf %get3A_508, %get3A_512 : vector<16xf32>
      %add3A_514 = arith.constant 16 : i32
      %add3A_515 = arith.addi %add3A_497, %add3A_514 : i32
      %get3A_516 = arith.index_cast %add3A_515 : i32 to index
      %get3A_517 = tpu.vector_load %arg9[%get3A_516] {strides = array<i32>} : memref<3120xi32, #tpu.memory_space<vmem>>, vector<16xi32>,
      tpu.vector_store_idx %arg11[%iota3A, %get3A_517], %mul3A_513 {add = true} : memref<16x16xf32, #tpu.memory_space<vmem>>[vector<16xi32>, vector<16xi32>], vector<16xf32>,
    }
    %scan3A_239 = arith.constant 48 : i32
    %get3A_240 = arith.constant 3104 : index
    %get3A_241 = tpu.vector_load %arg7[%get3A_240] {strides = array<i32>} : memref<3120xf32, #tpu.memory_space<vmem>>, vector<16xf32>,
    %get3A_242 = arith.constant 3104 : index
    %get3A_243 = tpu.vector_load %arg8[%get3A_242] {strides = array<i32>} : memref<3120xf32, #tpu.memory_space<vmem>>, vector<16xf32>,
    %mul3A_244 = arith.mulf %get3A_241, %get3A_243 : vector<16xf32>
    %get3A_245 = arith.constant 3104 : index
    %get3A_246 = tpu.vector_load %arg9[%get3A_245] {strides = array<i32>} : memref<3120xi32, #tpu.memory_space<vmem>>, vector<16xi32>,
    tpu.vector_store_idx %arg10[%iota3A, %get3A_246], %mul3A_244 {add = true} : memref<16x16xf32, #tpu.memory_space<vmem>>[vector<16xi32>, vector<16xi32>], vector<16xf32>,
    %eq3A = arith.constant 31 : i32
    %eq3A_247 = arith.cmpi eq, %add3A, %eq3A : i32
    %convert_element_type3A = arith.extui %eq3A_247 : i1 to i32
    %cond3A = arith.constant 0 : i32
    %cond3A_248 = arith.cmpi ne, %convert_element_type3A, %cond3A : i32
    scf.if %cond3A_248 {
      %dma_start3A_415 = arith.constant 0 : i32
      %dma_start3A_416 = tpu.memref_slice %arg7[%dma_start3A_415] : memref<3120xf32, #tpu.memory_space<vmem>> -> memref<160xf32, #tpu.memory_space<vmem>>
      %dma_start3A_417 = arith.constant 99840 : i32
      %dma_start3A_418 = tpu.memref_slice %arg2[%dma_start3A_417] : memref<100000xf32, #tpu.memory_space<hbm>> -> memref<160xf32, #tpu.memory_space<hbm>>
      %dma_start3A_419 = arith.constant 0 : i32
      %dma_start3A_420 = tpu.memref_slice %arg7[%dma_start3A_419] : memref<3120xf32, #tpu.memory_space<vmem>> -> memref<160xf32, #tpu.memory_space<vmem>>
      %dma_start3A_421 = arith.constant 99840 : i32
      %dma_start3A_422 = tpu.memref_slice %arg2[%dma_start3A_421] : memref<100000xf32, #tpu.memory_space<hbm>> -> memref<160xf32, #tpu.memory_space<hbm>>
      tpu.enqueue_dma source(%dma_start3A_422 : memref<160xf32, #tpu.memory_space<hbm>>) target(%dma_start3A_420 : memref<160xf32, #tpu.memory_space<vmem>>) target_semaphore(%arg14 : memref<!tpu.dma_semaphore, #tpu.memory_space<semaphore_mem>>)
      %dma_start3A_423 = arith.constant 0 : i32
      %dma_start3A_424 = tpu.memref_slice %arg8[%dma_start3A_423] : memref<3120xf32, #tpu.memory_space<vmem>> -> memref<160xf32, #tpu.memory_space<vmem>>
      %dma_start3A_425 = arith.constant 99840 : i32
      %dma_start3A_426 = tpu.memref_slice %arg3[%dma_start3A_425] : memref<100000xf32, #tpu.memory_space<hbm>> -> memref<160xf32, #tpu.memory_space<hbm>>
      %dma_start3A_427 = arith.constant 0 : i32
      %dma_start3A_428 = tpu.memref_slice %arg8[%dma_start3A_427] : memref<3120xf32, #tpu.memory_space<vmem>> -> memref<160xf32, #tpu.memory_space<vmem>>
      %dma_start3A_429 = arith.constant 99840 : i32
      %dma_start3A_430 = tpu.memref_slice %arg3[%dma_start3A_429] : memref<100000xf32, #tpu.memory_space<hbm>> -> memref<160xf32, #tpu.memory_space<hbm>>
      tpu.enqueue_dma source(%dma_start3A_430 : memref<160xf32, #tpu.memory_space<hbm>>) target(%dma_start3A_428 : memref<160xf32, #tpu.memory_space<vmem>>) target_semaphore(%arg15 : memref<!tpu.dma_semaphore, #tpu.memory_space<semaphore_mem>>)
      %dma_start3A_431 = arith.constant 0 : i32
      %dma_start3A_432 = tpu.memref_slice %arg9[%dma_start3A_431] : memref<3120xi32, #tpu.memory_space<vmem>> -> memref<160xi32, #tpu.memory_space<vmem>>
      %dma_start3A_433 = arith.constant 99840 : i32
      %dma_start3A_434 = tpu.memref_slice %arg4[%dma_start3A_433] : memref<100000xi32, #tpu.memory_space<hbm>> -> memref<160xi32, #tpu.memory_space<hbm>>
      %dma_start3A_435 = arith.constant 0 : i32
      %dma_start3A_436 = tpu.memref_slice %arg9[%dma_start3A_435] : memref<3120xi32, #tpu.memory_space<vmem>> -> memref<160xi32, #tpu.memory_space<vmem>>
      %dma_start3A_437 = arith.constant 99840 : i32
      %dma_start3A_438 = tpu.memref_slice %arg4[%dma_start3A_437] : memref<100000xi32, #tpu.memory_space<hbm>> -> memref<160xi32, #tpu.memory_space<hbm>>
      tpu.enqueue_dma source(%dma_start3A_438 : memref<160xi32, #tpu.memory_space<hbm>>) target(%dma_start3A_436 : memref<160xi32, #tpu.memory_space<vmem>>) target_semaphore(%arg16 : memref<!tpu.dma_semaphore, #tpu.memory_space<semaphore_mem>>)
      %dma_wait3A_439 = arith.constant 0 : i32
      %dma_wait3A_440 = tpu.memref_slice %arg7[%dma_wait3A_439] : memref<3120xf32, #tpu.memory_space<vmem>> -> memref<160xf32, #tpu.memory_space<vmem>>
      %dma_wait3A_441 = arith.constant 99840 : i32
      %dma_wait3A_442 = tpu.memref_slice %arg2[%dma_wait3A_441] : memref<100000xf32, #tpu.memory_space<hbm>> -> memref<160xf32, #tpu.memory_space<hbm>>
      %dma_wait3A_443 = arith.constant 0 : i32
      %dma_wait3A_444 = tpu.memref_slice %arg7[%dma_wait3A_443] : memref<3120xf32, #tpu.memory_space<vmem>> -> memref<160xf32, #tpu.memory_space<vmem>>
      %dma_wait3A_445 = arith.constant 99840 : i32
      %dma_wait3A_446 = tpu.memref_slice %arg2[%dma_wait3A_445] : memref<100000xf32, #tpu.memory_space<hbm>> -> memref<160xf32, #tpu.memory_space<hbm>>
      tpu.wait_dma2 semaphore(%arg14 : memref<!tpu.dma_semaphore, #tpu.memory_space<semaphore_mem>>) src(%dma_wait3A_446 : memref<160xf32, #tpu.memory_space<hbm>>) dst(%dma_wait3A_444 : memref<160xf32, #tpu.memory_space<vmem>>)
      %dma_wait3A_447 = arith.constant 0 : i32
      %dma_wait3A_448 = tpu.memref_slice %arg8[%dma_wait3A_447] : memref<3120xf32, #tpu.memory_space<vmem>> -> memref<160xf32, #tpu.memory_space<vmem>>
      %dma_wait3A_449 = arith.constant 99840 : i32
      %dma_wait3A_450 = tpu.memref_slice %arg3[%dma_wait3A_449] : memref<100000xf32, #tpu.memory_space<hbm>> -> memref<160xf32, #tpu.memory_space<hbm>>
      %dma_wait3A_451 = arith.constant 0 : i32
      %dma_wait3A_452 = tpu.memref_slice %arg8[%dma_wait3A_451] : memref<3120xf32, #tpu.memory_space<vmem>> -> memref<160xf32, #tpu.memory_space<vmem>>
      %dma_wait3A_453 = arith.constant 99840 : i32
      %dma_wait3A_454 = tpu.memref_slice %arg3[%dma_wait3A_453] : memref<100000xf32, #tpu.memory_space<hbm>> -> memref<160xf32, #tpu.memory_space<hbm>>
      tpu.wait_dma2 semaphore(%arg15 : memref<!tpu.dma_semaphore, #tpu.memory_space<semaphore_mem>>) src(%dma_wait3A_454 : memref<160xf32, #tpu.memory_space<hbm>>) dst(%dma_wait3A_452 : memref<160xf32, #tpu.memory_space<vmem>>)
      %dma_wait3A_455 = arith.constant 0 : i32
      %dma_wait3A_456 = tpu.memref_slice %arg9[%dma_wait3A_455] : memref<3120xi32, #tpu.memory_space<vmem>> -> memref<160xi32, #tpu.memory_space<vmem>>
      %dma_wait3A_457 = arith.constant 99840 : i32
      %dma_wait3A_458 = tpu.memref_slice %arg4[%dma_wait3A_457] : memref<100000xi32, #tpu.memory_space<hbm>> -> memref<160xi32, #tpu.memory_space<hbm>>
      %dma_wait3A_459 = arith.constant 0 : i32
      %dma_wait3A_460 = tpu.memref_slice %arg9[%dma_wait3A_459] : memref<3120xi32, #tpu.memory_space<vmem>> -> memref<160xi32, #tpu.memory_space<vmem>>
      %dma_wait3A_461 = arith.constant 99840 : i32
      %dma_wait3A_462 = tpu.memref_slice %arg4[%dma_wait3A_461] : memref<100000xi32, #tpu.memory_space<hbm>> -> memref<160xi32, #tpu.memory_space<hbm>>
      tpu.wait_dma2 semaphore(%arg16 : memref<!tpu.dma_semaphore, #tpu.memory_space<semaphore_mem>>) src(%dma_wait3A_462 : memref<160xi32, #tpu.memory_space<hbm>>) dst(%dma_wait3A_460 : memref<160xi32, #tpu.memory_space<vmem>>)
      %scan3A_463 = arith.constant 0 : i32
      %scan3A_464 = arith.constant 0 : i32
      %scan3A_465 = arith.constant 4 : i32
      %scan3A_466 = arith.addi %scan3A_464, %scan3A_465 : i32
      %scan3A_467 = arith.constant 4 : i32
      scf.for %scan3A_495 = %scan3A_464 to %scan3A_466 step %scan3A_467  : i32 {
        %mul3A_496 = arith.constant 32 : i32
        %mul3A_497 = arith.muli %scan3A_495, %mul3A_496 : i32
        %add3A_498 = arith.constant 0 : i32
        %add3A_499 = arith.addi %add3A_498, %mul3A_497 : i32
        %get3A_500 = arith.index_cast %add3A_499 : i32 to index
        %get3A_501 = tpu.vector_load %arg7[%get3A_500] {strides = array<i32>} : memref<3120xf32, #tpu.memory_space<vmem>>, vector<16xf32>,
        %get3A_502 = arith.index_cast %add3A_499 : i32 to index
        %get3A_503 = tpu.vector_load %arg8[%get3A_502] {strides = array<i32>} : memref<3120xf32, #tpu.memory_space<vmem>>, vector<16xf32>,
        %mul3A_504 = arith.mulf %get3A_501, %get3A_503 : vector<16xf32>
        %get3A_505 = arith.index_cast %add3A_499 : i32 to index
        %get3A_506 = tpu.vector_load %arg9[%get3A_505] {strides = array<i32>} : memref<3120xi32, #tpu.memory_space<vmem>>, vector<16xi32>,
        tpu.vector_store_idx %arg10[%iota3A, %get3A_506], %mul3A_504 {add = true} : memref<16x16xf32, #tpu.memory_space<vmem>>[vector<16xi32>, vector<16xi32>], vector<16xf32>,
        %add3A_507 = arith.constant 16 : i32
        %add3A_508 = arith.addi %add3A_499, %add3A_507 : i32
        %get3A_509 = arith.index_cast %add3A_508 : i32 to index
        %get3A_510 = tpu.vector_load %arg7[%get3A_509] {strides = array<i32>} : memref<3120xf32, #tpu.memory_space<vmem>>, vector<16xf32>,
        %add3A_511 = arith.constant 16 : i32
        %add3A_512 = arith.addi %add3A_499, %add3A_511 : i32
        %get3A_513 = arith.index_cast %add3A_512 : i32 to index
        %get3A_514 = tpu.vector_load %arg8[%get3A_513] {strides = array<i32>} : memref<3120xf32, #tpu.memory_space<vmem>>, vector<16xf32>,
        %mul3A_515 = arith.mulf %get3A_510, %get3A_514 : vector<16xf32>
        %add3A_516 = arith.constant 16 : i32
        %add3A_517 = arith.addi %add3A_499, %add3A_516 : i32
        %get3A_518 = arith.index_cast %add3A_517 : i32 to index
        %get3A_519 = tpu.vector_load %arg9[%get3A_518] {strides = array<i32>} : memref<3120xi32, #tpu.memory_space<vmem>>, vector<16xi32>,
        tpu.vector_store_idx %arg11[%iota3A, %get3A_519], %mul3A_515 {add = true} : memref<16x16xf32, #tpu.memory_space<vmem>>[vector<16xi32>, vector<16xi32>], vector<16xf32>,
        %scan3A_520 = arith.constant 1 : i32
        %scan3A_521 = arith.addi %scan3A_495, %scan3A_520 : i32
        %mul3A_522 = arith.constant 32 : i32
        %mul3A_523 = arith.muli %scan3A_521, %mul3A_522 : i32
        %add3A_524 = arith.constant 0 : i32
        %add3A_525 = arith.addi %add3A_524, %mul3A_523 : i32
        %get3A_526 = arith.index_cast %add3A_525 : i32 to index
        %get3A_527 = tpu.vector_load %arg7[%get3A_526] {strides = array<i32>} : memref<3120xf32, #tpu.memory_space<vmem>>, vector<16xf32>,
        %get3A_528 = arith.index_cast %add3A_525 : i32 to index
        %get3A_529 = tpu.vector_load %arg8[%get3A_528] {strides = array<i32>} : memref<3120xf32, #tpu.memory_space<vmem>>, vector<16xf32>,
        %mul3A_530 = arith.mulf %get3A_527, %get3A_529 : vector<16xf32>
        %get3A_531 = arith.index_cast %add3A_525 : i32 to index
        %get3A_532 = tpu.vector_load %arg9[%get3A_531] {strides = array<i32>} : memref<3120xi32, #tpu.memory_space<vmem>>, vector<16xi32>,
        tpu.vector_store_idx %arg10[%iota3A, %get3A_532], %mul3A_530 {add = true} : memref<16x16xf32, #tpu.memory_space<vmem>>[vector<16xi32>, vector<16xi32>], vector<16xf32>,
        %add3A_533 = arith.constant 16 : i32
        %add3A_534 = arith.addi %add3A_525, %add3A_533 : i32
        %get3A_535 = arith.index_cast %add3A_534 : i32 to index
        %get3A_536 = tpu.vector_load %arg7[%get3A_535] {strides = array<i32>} : memref<3120xf32, #tpu.memory_space<vmem>>, vector<16xf32>,
        %add3A_537 = arith.constant 16 : i32
        %add3A_538 = arith.addi %add3A_525, %add3A_537 : i32
        %get3A_539 = arith.index_cast %add3A_538 : i32 to index
        %get3A_540 = tpu.vector_load %arg8[%get3A_539] {strides = array<i32>} : memref<3120xf32, #tpu.memory_space<vmem>>, vector<16xf32>,
        %mul3A_541 = arith.mulf %get3A_536, %get3A_540 : vector<16xf32>
        %add3A_542 = arith.constant 16 : i32
        %add3A_543 = arith.addi %add3A_525, %add3A_542 : i32
        %get3A_544 = arith.index_cast %add3A_543 : i32 to index
        %get3A_545 = tpu.vector_load %arg9[%get3A_544] {strides = array<i32>} : memref<3120xi32, #tpu.memory_space<vmem>>, vector<16xi32>,
        tpu.vector_store_idx %arg11[%iota3A, %get3A_545], %mul3A_541 {add = true} : memref<16x16xf32, #tpu.memory_space<vmem>>[vector<16xi32>, vector<16xi32>], vector<16xf32>,
        %scan3A_546 = arith.constant 2 : i32
        %scan3A_547 = arith.addi %scan3A_495, %scan3A_546 : i32
        %mul3A_548 = arith.constant 32 : i32
        %mul3A_549 = arith.muli %scan3A_547, %mul3A_548 : i32
        %add3A_550 = arith.constant 0 : i32
        %add3A_551 = arith.addi %add3A_550, %mul3A_549 : i32
        %get3A_552 = arith.index_cast %add3A_551 : i32 to index
        %get3A_553 = tpu.vector_load %arg7[%get3A_552] {strides = array<i32>} : memref<3120xf32, #tpu.memory_space<vmem>>, vector<16xf32>,
        %get3A_554 = arith.index_cast %add3A_551 : i32 to index
        %get3A_555 = tpu.vector_load %arg8[%get3A_554] {strides = array<i32>} : memref<3120xf32, #tpu.memory_space<vmem>>, vector<16xf32>,
        %mul3A_556 = arith.mulf %get3A_553, %get3A_555 : vector<16xf32>
        %get3A_557 = arith.index_cast %add3A_551 : i32 to index
        %get3A_558 = tpu.vector_load %arg9[%get3A_557] {strides = array<i32>} : memref<3120xi32, #tpu.memory_space<vmem>>, vector<16xi32>,
        tpu.vector_store_idx %arg10[%iota3A, %get3A_558], %mul3A_556 {add = true} : memref<16x16xf32, #tpu.memory_space<vmem>>[vector<16xi32>, vector<16xi32>], vector<16xf32>,
        %add3A_559 = arith.constant 16 : i32
        %add3A_560 = arith.addi %add3A_551, %add3A_559 : i32
        %get3A_561 = arith.index_cast %add3A_560 : i32 to index
        %get3A_562 = tpu.vector_load %arg7[%get3A_561] {strides = array<i32>} : memref<3120xf32, #tpu.memory_space<vmem>>, vector<16xf32>,
        %add3A_563 = arith.constant 16 : i32
        %add3A_564 = arith.addi %add3A_551, %add3A_563 : i32
        %get3A_565 = arith.index_cast %add3A_564 : i32 to index
        %get3A_566 = tpu.vector_load %arg8[%get3A_565] {strides = array<i32>} : memref<3120xf32, #tpu.memory_space<vmem>>, vector<16xf32>,
        %mul3A_567 = arith.mulf %get3A_562, %get3A_566 : vector<16xf32>
        %add3A_568 = arith.constant 16 : i32
        %add3A_569 = arith.addi %add3A_551, %add3A_568 : i32
        %get3A_570 = arith.index_cast %add3A_569 : i32 to index
        %get3A_571 = tpu.vector_load %arg9[%get3A_570] {strides = array<i32>} : memref<3120xi32, #tpu.memory_space<vmem>>, vector<16xi32>,
        tpu.vector_store_idx %arg11[%iota3A, %get3A_571], %mul3A_567 {add = true} : memref<16x16xf32, #tpu.memory_space<vmem>>[vector<16xi32>, vector<16xi32>], vector<16xf32>,
        %scan3A_572 = arith.constant 3 : i32
        %scan3A_573 = arith.addi %scan3A_495, %scan3A_572 : i32
        %mul3A_574 = arith.constant 32 : i32
        %mul3A_575 = arith.muli %scan3A_573, %mul3A_574 : i32
        %add3A_576 = arith.constant 0 : i32
        %add3A_577 = arith.addi %add3A_576, %mul3A_575 : i32
        %get3A_578 = arith.index_cast %add3A_577 : i32 to index
        %get3A_579 = tpu.vector_load %arg7[%get3A_578] {strides = array<i32>} : memref<3120xf32, #tpu.memory_space<vmem>>, vector<16xf32>,
        %get3A_580 = arith.index_cast %add3A_577 : i32 to index
        %get3A_581 = tpu.vector_load %arg8[%get3A_580] {strides = array<i32>} : memref<3120xf32, #tpu.memory_space<vmem>>, vector<16xf32>,
        %mul3A_582 = arith.mulf %get3A_579, %get3A_581 : vector<16xf32>
        %get3A_583 = arith.index_cast %add3A_577 : i32 to index
        %get3A_584 = tpu.vector_load %arg9[%get3A_583] {strides = array<i32>} : memref<3120xi32, #tpu.memory_space<vmem>>, vector<16xi32>,
        tpu.vector_store_idx %arg10[%iota3A, %get3A_584], %mul3A_582 {add = true} : memref<16x16xf32, #tpu.memory_space<vmem>>[vector<16xi32>, vector<16xi32>], vector<16xf32>,
        %add3A_585 = arith.constant 16 : i32
        %add3A_586 = arith.addi %add3A_577, %add3A_585 : i32
        %get3A_587 = arith.index_cast %add3A_586 : i32 to index
        %get3A_588 = tpu.vector_load %arg7[%get3A_587] {strides = array<i32>} : memref<3120xf32, #tpu.memory_space<vmem>>, vector<16xf32>,
        %add3A_589 = arith.constant 16 : i32
        %add3A_590 = arith.addi %add3A_577, %add3A_589 : i32
        %get3A_591 = arith.index_cast %add3A_590 : i32 to index
        %get3A_592 = tpu.vector_load %arg8[%get3A_591] {strides = array<i32>} : memref<3120xf32, #tpu.memory_space<vmem>>, vector<16xf32>,
        %mul3A_593 = arith.mulf %get3A_588, %get3A_592 : vector<16xf32>
        %add3A_594 = arith.constant 16 : i32
        %add3A_595 = arith.addi %add3A_577, %add3A_594 : i32
        %get3A_596 = arith.index_cast %add3A_595 : i32 to index
        %get3A_597 = tpu.vector_load %arg9[%get3A_596] {strides = array<i32>} : memref<3120xi32, #tpu.memory_space<vmem>>, vector<16xi32>,
        tpu.vector_store_idx %arg11[%iota3A, %get3A_597], %mul3A_593 {add = true} : memref<16x16xf32, #tpu.memory_space<vmem>>[vector<16xi32>, vector<16xi32>], vector<16xf32>,
      }
      %scan3A_468 = arith.constant 4 : i32
      %scan3A_469 = arith.addi %scan3A_464, %scan3A_468 : i32
      %mul3A_470 = arith.constant 32 : i32
      %mul3A_471 = arith.muli %scan3A_469, %mul3A_470 : i32
      %add3A_472 = arith.constant 0 : i32
      %add3A_473 = arith.addi %add3A_472, %mul3A_471 : i32
      %get3A_474 = arith.index_cast %add3A_473 : i32 to index
      %get3A_475 = tpu.vector_load %arg7[%get3A_474] {strides = array<i32>} : memref<3120xf32, #tpu.memory_space<vmem>>, vector<16xf32>,
      %get3A_476 = arith.index_cast %add3A_473 : i32 to index
      %get3A_477 = tpu.vector_load %arg8[%get3A_476] {strides = array<i32>} : memref<3120xf32, #tpu.memory_space<vmem>>, vector<16xf32>,
      %mul3A_478 = arith.mulf %get3A_475, %get3A_477 : vector<16xf32>
      %get3A_479 = arith.index_cast %add3A_473 : i32 to index
      %get3A_480 = tpu.vector_load %arg9[%get3A_479] {strides = array<i32>} : memref<3120xi32, #tpu.memory_space<vmem>>, vector<16xi32>,
      tpu.vector_store_idx %arg10[%iota3A, %get3A_480], %mul3A_478 {add = true} : memref<16x16xf32, #tpu.memory_space<vmem>>[vector<16xi32>, vector<16xi32>], vector<16xf32>,
      %add3A_481 = arith.constant 16 : i32
      %add3A_482 = arith.addi %add3A_473, %add3A_481 : i32
      %get3A_483 = arith.index_cast %add3A_482 : i32 to index
      %get3A_484 = tpu.vector_load %arg7[%get3A_483] {strides = array<i32>} : memref<3120xf32, #tpu.memory_space<vmem>>, vector<16xf32>,
      %add3A_485 = arith.constant 16 : i32
      %add3A_486 = arith.addi %add3A_473, %add3A_485 : i32
      %get3A_487 = arith.index_cast %add3A_486 : i32 to index
      %get3A_488 = tpu.vector_load %arg8[%get3A_487] {strides = array<i32>} : memref<3120xf32, #tpu.memory_space<vmem>>, vector<16xf32>,
      %mul3A_489 = arith.mulf %get3A_484, %get3A_488 : vector<16xf32>
      %add3A_490 = arith.constant 16 : i32
      %add3A_491 = arith.addi %add3A_473, %add3A_490 : i32
      %get3A_492 = arith.index_cast %add3A_491 : i32 to index
      %get3A_493 = tpu.vector_load %arg9[%get3A_492] {strides = array<i32>} : memref<3120xi32, #tpu.memory_space<vmem>>, vector<16xi32>,
      tpu.vector_store_idx %arg11[%iota3A, %get3A_493], %mul3A_489 {add = true} : memref<16x16xf32, #tpu.memory_space<vmem>>[vector<16xi32>, vector<16xi32>], vector<16xf32>,
      %scan3A_494 = arith.constant 5 : i32
    } else {
    }
    %get3A_249 = arith.constant 0 : i32
    %get3A_250 = arith.index_cast %get3A_249 : i32 to index
    %get3A_251 = arith.constant 0 : index
    %get3A_252 = tpu.vector_load %arg10[%get3A_250, %get3A_251] {strides = array<i32>} : memref<16x16xf32, #tpu.memory_space<vmem>>, vector<16xf32>,
    %get3A_253 = arith.constant 0 : i32
    %get3A_254 = arith.index_cast %get3A_253 : i32 to index
    %get3A_255 = arith.constant 0 : index
    %get3A_256 = tpu.vector_load %arg11[%get3A_254, %get3A_255] {strides = array<i32>} : memref<16x16xf32, #tpu.memory_space<vmem>>, vector<16xf32>,
    %add3A_257 = arith.addf %get3A_252, %get3A_256 : vector<16xf32>
    %get3A_258 = arith.constant 1 : i32
    %get3A_259 = arith.index_cast %get3A_258 : i32 to index
    %get3A_260 = arith.constant 0 : index
    %get3A_261 = tpu.vector_load %arg10[%get3A_259, %get3A_260] {strides = array<i32>} : memref<16x16xf32, #tpu.memory_space<vmem>>, vector<16xf32>,
    %add3A_262 = arith.addf %add3A_257, %get3A_261 : vector<16xf32>
    %get3A_263 = arith.constant 1 : i32
    %get3A_264 = arith.index_cast %get3A_263 : i32 to index
    %get3A_265 = arith.constant 0 : index
    %get3A_266 = tpu.vector_load %arg11[%get3A_264, %get3A_265] {strides = array<i32>} : memref<16x16xf32, #tpu.memory_space<vmem>>, vector<16xf32>,
    %add3A_267 = arith.addf %add3A_262, %get3A_266 : vector<16xf32>
    %get3A_268 = arith.constant 2 : i32
    %get3A_269 = arith.index_cast %get3A_268 : i32 to index
    %get3A_270 = arith.constant 0 : index
    %get3A_271 = tpu.vector_load %arg10[%get3A_269, %get3A_270] {strides = array<i32>} : memref<16x16xf32, #tpu.memory_space<vmem>>, vector<16xf32>,
    %add3A_272 = arith.addf %add3A_267, %get3A_271 : vector<16xf32>
    %get3A_273 = arith.constant 2 : i32
    %get3A_274 = arith.index_cast %get3A_273 : i32 to index
    %get3A_275 = arith.constant 0 : index
    %get3A_276 = tpu.vector_load %arg11[%get3A_274, %get3A_275] {strides = array<i32>} : memref<16x16xf32, #tpu.memory_space<vmem>>, vector<16xf32>,
    %add3A_277 = arith.addf %add3A_272, %get3A_276 : vector<16xf32>
    %get3A_278 = arith.constant 3 : i32
    %get3A_279 = arith.index_cast %get3A_278 : i32 to index
    %get3A_280 = arith.constant 0 : index
    %get3A_281 = tpu.vector_load %arg10[%get3A_279, %get3A_280] {strides = array<i32>} : memref<16x16xf32, #tpu.memory_space<vmem>>, vector<16xf32>,
    %add3A_282 = arith.addf %add3A_277, %get3A_281 : vector<16xf32>
    %get3A_283 = arith.constant 3 : i32
    %get3A_284 = arith.index_cast %get3A_283 : i32 to index
    %get3A_285 = arith.constant 0 : index
    %get3A_286 = tpu.vector_load %arg11[%get3A_284, %get3A_285] {strides = array<i32>} : memref<16x16xf32, #tpu.memory_space<vmem>>, vector<16xf32>,
    %add3A_287 = arith.addf %add3A_282, %get3A_286 : vector<16xf32>
    %get3A_288 = arith.constant 4 : i32
    %get3A_289 = arith.index_cast %get3A_288 : i32 to index
    %get3A_290 = arith.constant 0 : index
    %get3A_291 = tpu.vector_load %arg10[%get3A_289, %get3A_290] {strides = array<i32>} : memref<16x16xf32, #tpu.memory_space<vmem>>, vector<16xf32>,
    %add3A_292 = arith.addf %add3A_287, %get3A_291 : vector<16xf32>
    %get3A_293 = arith.constant 4 : i32
    %get3A_294 = arith.index_cast %get3A_293 : i32 to index
    %get3A_295 = arith.constant 0 : index
    %get3A_296 = tpu.vector_load %arg11[%get3A_294, %get3A_295] {strides = array<i32>} : memref<16x16xf32, #tpu.memory_space<vmem>>, vector<16xf32>,
    %add3A_297 = arith.addf %add3A_292, %get3A_296 : vector<16xf32>
    %get3A_298 = arith.constant 5 : i32
    %get3A_299 = arith.index_cast %get3A_298 : i32 to index
    %get3A_300 = arith.constant 0 : index
    %get3A_301 = tpu.vector_load %arg10[%get3A_299, %get3A_300] {strides = array<i32>} : memref<16x16xf32, #tpu.memory_space<vmem>>, vector<16xf32>,
    %add3A_302 = arith.addf %add3A_297, %get3A_301 : vector<16xf32>
    %get3A_303 = arith.constant 5 : i32
    %get3A_304 = arith.index_cast %get3A_303 : i32 to index
    %get3A_305 = arith.constant 0 : index
    %get3A_306 = tpu.vector_load %arg11[%get3A_304, %get3A_305] {strides = array<i32>} : memref<16x16xf32, #tpu.memory_space<vmem>>, vector<16xf32>,
    %add3A_307 = arith.addf %add3A_302, %get3A_306 : vector<16xf32>
    %get3A_308 = arith.constant 6 : i32
    %get3A_309 = arith.index_cast %get3A_308 : i32 to index
    %get3A_310 = arith.constant 0 : index
    %get3A_311 = tpu.vector_load %arg10[%get3A_309, %get3A_310] {strides = array<i32>} : memref<16x16xf32, #tpu.memory_space<vmem>>, vector<16xf32>,
    %add3A_312 = arith.addf %add3A_307, %get3A_311 : vector<16xf32>
    %get3A_313 = arith.constant 6 : i32
    %get3A_314 = arith.index_cast %get3A_313 : i32 to index
    %get3A_315 = arith.constant 0 : index
    %get3A_316 = tpu.vector_load %arg11[%get3A_314, %get3A_315] {strides = array<i32>} : memref<16x16xf32, #tpu.memory_space<vmem>>, vector<16xf32>,
    %add3A_317 = arith.addf %add3A_312, %get3A_316 : vector<16xf32>
    %get3A_318 = arith.constant 7 : i32
    %get3A_319 = arith.index_cast %get3A_318 : i32 to index
    %get3A_320 = arith.constant 0 : index
    %get3A_321 = tpu.vector_load %arg10[%get3A_319, %get3A_320] {strides = array<i32>} : memref<16x16xf32, #tpu.memory_space<vmem>>, vector<16xf32>,
    %add3A_322 = arith.addf %add3A_317, %get3A_321 : vector<16xf32>
    %get3A_323 = arith.constant 7 : i32
    %get3A_324 = arith.index_cast %get3A_323 : i32 to index
    %get3A_325 = arith.constant 0 : index
    %get3A_326 = tpu.vector_load %arg11[%get3A_324, %get3A_325] {strides = array<i32>} : memref<16x16xf32, #tpu.memory_space<vmem>>, vector<16xf32>,
    %add3A_327 = arith.addf %add3A_322, %get3A_326 : vector<16xf32>
    %get3A_328 = arith.constant 8 : i32
    %get3A_329 = arith.index_cast %get3A_328 : i32 to index
    %get3A_330 = arith.constant 0 : index
    %get3A_331 = tpu.vector_load %arg10[%get3A_329, %get3A_330] {strides = array<i32>} : memref<16x16xf32, #tpu.memory_space<vmem>>, vector<16xf32>,
    %add3A_332 = arith.addf %add3A_327, %get3A_331 : vector<16xf32>
    %get3A_333 = arith.constant 8 : i32
    %get3A_334 = arith.index_cast %get3A_333 : i32 to index
    %get3A_335 = arith.constant 0 : index
    %get3A_336 = tpu.vector_load %arg11[%get3A_334, %get3A_335] {strides = array<i32>} : memref<16x16xf32, #tpu.memory_space<vmem>>, vector<16xf32>,
    %add3A_337 = arith.addf %add3A_332, %get3A_336 : vector<16xf32>
    %get3A_338 = arith.constant 9 : i32
    %get3A_339 = arith.index_cast %get3A_338 : i32 to index
    %get3A_340 = arith.constant 0 : index
    %get3A_341 = tpu.vector_load %arg10[%get3A_339, %get3A_340] {strides = array<i32>} : memref<16x16xf32, #tpu.memory_space<vmem>>, vector<16xf32>,
    %add3A_342 = arith.addf %add3A_337, %get3A_341 : vector<16xf32>
    %get3A_343 = arith.constant 9 : i32
    %get3A_344 = arith.index_cast %get3A_343 : i32 to index
    %get3A_345 = arith.constant 0 : index
    %get3A_346 = tpu.vector_load %arg11[%get3A_344, %get3A_345] {strides = array<i32>} : memref<16x16xf32, #tpu.memory_space<vmem>>, vector<16xf32>,
    %add3A_347 = arith.addf %add3A_342, %get3A_346 : vector<16xf32>
    %get3A_348 = arith.constant 10 : i32
    %get3A_349 = arith.index_cast %get3A_348 : i32 to index
    %get3A_350 = arith.constant 0 : index
    %get3A_351 = tpu.vector_load %arg10[%get3A_349, %get3A_350] {strides = array<i32>} : memref<16x16xf32, #tpu.memory_space<vmem>>, vector<16xf32>,
    %add3A_352 = arith.addf %add3A_347, %get3A_351 : vector<16xf32>
    %get3A_353 = arith.constant 10 : i32
    %get3A_354 = arith.index_cast %get3A_353 : i32 to index
    %get3A_355 = arith.constant 0 : index
    %get3A_356 = tpu.vector_load %arg11[%get3A_354, %get3A_355] {strides = array<i32>} : memref<16x16xf32, #tpu.memory_space<vmem>>, vector<16xf32>,
    %add3A_357 = arith.addf %add3A_352, %get3A_356 : vector<16xf32>
    %get3A_358 = arith.constant 11 : i32
    %get3A_359 = arith.index_cast %get3A_358 : i32 to index
    %get3A_360 = arith.constant 0 : index
    %get3A_361 = tpu.vector_load %arg10[%get3A_359, %get3A_360] {strides = array<i32>} : memref<16x16xf32, #tpu.memory_space<vmem>>, vector<16xf32>,
    %add3A_362 = arith.addf %add3A_357, %get3A_361 : vector<16xf32>
    %get3A_363 = arith.constant 11 : i32
    %get3A_364 = arith.index_cast %get3A_363 : i32 to index
    %get3A_365 = arith.constant 0 : index
    %get3A_366 = tpu.vector_load %arg11[%get3A_364, %get3A_365] {strides = array<i32>} : memref<16x16xf32, #tpu.memory_space<vmem>>, vector<16xf32>,
    %add3A_367 = arith.addf %add3A_362, %get3A_366 : vector<16xf32>
    %get3A_368 = arith.constant 12 : i32
    %get3A_369 = arith.index_cast %get3A_368 : i32 to index
    %get3A_370 = arith.constant 0 : index
    %get3A_371 = tpu.vector_load %arg10[%get3A_369, %get3A_370] {strides = array<i32>} : memref<16x16xf32, #tpu.memory_space<vmem>>, vector<16xf32>,
    %add3A_372 = arith.addf %add3A_367, %get3A_371 : vector<16xf32>
    %get3A_373 = arith.constant 12 : i32
    %get3A_374 = arith.index_cast %get3A_373 : i32 to index
    %get3A_375 = arith.constant 0 : index
    %get3A_376 = tpu.vector_load %arg11[%get3A_374, %get3A_375] {strides = array<i32>} : memref<16x16xf32, #tpu.memory_space<vmem>>, vector<16xf32>,
    %add3A_377 = arith.addf %add3A_372, %get3A_376 : vector<16xf32>
    %get3A_378 = arith.constant 13 : i32
    %get3A_379 = arith.index_cast %get3A_378 : i32 to index
    %get3A_380 = arith.constant 0 : index
    %get3A_381 = tpu.vector_load %arg10[%get3A_379, %get3A_380] {strides = array<i32>} : memref<16x16xf32, #tpu.memory_space<vmem>>, vector<16xf32>,
    %add3A_382 = arith.addf %add3A_377, %get3A_381 : vector<16xf32>
    %get3A_383 = arith.constant 13 : i32
    %get3A_384 = arith.index_cast %get3A_383 : i32 to index
    %get3A_385 = arith.constant 0 : index
    %get3A_386 = tpu.vector_load %arg11[%get3A_384, %get3A_385] {strides = array<i32>} : memref<16x16xf32, #tpu.memory_space<vmem>>, vector<16xf32>,
    %add3A_387 = arith.addf %add3A_382, %get3A_386 : vector<16xf32>
    %get3A_388 = arith.constant 14 : i32
    %get3A_389 = arith.index_cast %get3A_388 : i32 to index
    %get3A_390 = arith.constant 0 : index
    %get3A_391 = tpu.vector_load %arg10[%get3A_389, %get3A_390] {strides = array<i32>} : memref<16x16xf32, #tpu.memory_space<vmem>>, vector<16xf32>,
    %add3A_392 = arith.addf %add3A_387, %get3A_391 : vector<16xf32>
    %get3A_393 = arith.constant 14 : i32
    %get3A_394 = arith.index_cast %get3A_393 : i32 to index
    %get3A_395 = arith.constant 0 : index
    %get3A_396 = tpu.vector_load %arg11[%get3A_394, %get3A_395] {strides = array<i32>} : memref<16x16xf32, #tpu.memory_space<vmem>>, vector<16xf32>,
    %add3A_397 = arith.addf %add3A_392, %get3A_396 : vector<16xf32>
    %get3A_398 = arith.constant 15 : i32
    %get3A_399 = arith.index_cast %get3A_398 : i32 to index
    %get3A_400 = arith.constant 0 : index
    %get3A_401 = tpu.vector_load %arg10[%get3A_399, %get3A_400] {strides = array<i32>} : memref<16x16xf32, #tpu.memory_space<vmem>>, vector<16xf32>,
    %add3A_402 = arith.addf %add3A_397, %get3A_401 : vector<16xf32>
    %get3A_403 = arith.constant 15 : i32
    %get3A_404 = arith.index_cast %get3A_403 : i32 to index
    %get3A_405 = arith.constant 0 : index
    %get3A_406 = tpu.vector_load %arg11[%get3A_404, %get3A_405] {strides = array<i32>} : memref<16x16xf32, #tpu.memory_space<vmem>>, vector<16xf32>,
    %add3A_407 = arith.addf %add3A_402, %get3A_406 : vector<16xf32>
    %swap3A_408 = arith.constant 0 : index
    %swap3A_409 = tpu.vector_load %arg12[%swap3A_408] {strides = array<i32>} : memref<16xf32, #tpu.memory_space<vmem>>, vector<16xf32>,
    tpu.vector_store %arg12[%swap3A_408], %add3A_407 {strides = array<i32>} : memref<16xf32, #tpu.memory_space<vmem>>, vector<16xf32>,
    "tpu.region"() ({
      %run_scoped3A = tpu.sem_alloc : memref<!tpu.dma_semaphore, #tpu.memory_space<semaphore_mem>>
      %dma_start3A_415 = arith.constant 0 : i32
      %dma_start3A_416 = tpu.memref_slice %arg6[%arg0, %arg1, %dma_start3A_415] : memref<2x16x16xf32, #tpu.memory_space<hbm>> -> memref<1x1x16xf32, #tpu.memory_space<hbm>>
      %dma_start3A_417 = tpu.memref_squeeze %dma_start3A_416 : memref<1x1x16xf32, #tpu.memory_space<hbm>> -> memref<16xf32, #tpu.memory_space<hbm>>
      %dma_start3A_418 = arith.constant 0 : i32
      %dma_start3A_419 = tpu.memref_slice %arg6[%arg0, %arg1, %dma_start3A_418] : memref<2x16x16xf32, #tpu.memory_space<hbm>> -> memref<1x1x16xf32, #tpu.memory_space<hbm>>
      %dma_start3A_420 = tpu.memref_squeeze %dma_start3A_419 : memref<1x1x16xf32, #tpu.memory_space<hbm>> -> memref<16xf32, #tpu.memory_space<hbm>>
      tpu.enqueue_dma source(%arg12 : memref<16xf32, #tpu.memory_space<vmem>>) target(%dma_start3A_420 : memref<16xf32, #tpu.memory_space<hbm>>) target_semaphore(%run_scoped3A : memref<!tpu.dma_semaphore, #tpu.memory_space<semaphore_mem>>)
      %dma_wait3A_421 = arith.constant 0 : i32
      %dma_wait3A_422 = tpu.memref_slice %arg6[%arg0, %arg1, %dma_wait3A_421] : memref<2x16x16xf32, #tpu.memory_space<hbm>> -> memref<1x1x16xf32, #tpu.memory_space<hbm>>
      %dma_wait3A_423 = tpu.memref_squeeze %dma_wait3A_422 : memref<1x1x16xf32, #tpu.memory_space<hbm>> -> memref<16xf32, #tpu.memory_space<hbm>>
      %dma_wait3A_424 = arith.constant 0 : i32
      %dma_wait3A_425 = tpu.memref_slice %arg6[%arg0, %arg1, %dma_wait3A_424] : memref<2x16x16xf32, #tpu.memory_space<hbm>> -> memref<1x1x16xf32, #tpu.memory_space<hbm>>
      %dma_wait3A_426 = tpu.memref_squeeze %dma_wait3A_425 : memref<1x1x16xf32, #tpu.memory_space<hbm>> -> memref<16xf32, #tpu.memory_space<hbm>>
      tpu.wait_dma2 semaphore(%run_scoped3A : memref<!tpu.dma_semaphore, #tpu.memory_space<semaphore_mem>>) src(%arg12 : memref<16xf32, #tpu.memory_space<vmem>>) dst(%dma_wait3A_426 : memref<16xf32, #tpu.memory_space<hbm>>)
      tpu.yield
    }) : () -> ()
    %barrier3A = arith.constant 0 : index
    tpu.barrier barrier_id(%barrier3A)
    %eq3A_410 = arith.constant 0 : i32
    %eq3A_411 = arith.cmpi eq, %arg1, %eq3A_410 : i32
    %convert_element_type3A_412 = arith.extui %eq3A_411 : i1 to i32
    %cond3A_413 = arith.constant 0 : i32
    %cond3A_414 = arith.cmpi ne, %convert_element_type3A_412, %cond3A_413 : i32
    scf.if %cond3A_414 {
      "tpu.region"() ({
        %run_scoped3A = tpu.sem_alloc : memref<!tpu.dma_semaphore, #tpu.memory_space<semaphore_mem>>
        %dma_start3A_496 = arith.constant 0 : i32
        %dma_start3A_497 = arith.constant 0 : i32
        %dma_start3A_498 = tpu.memref_slice %arg6[%arg0, %dma_start3A_496, %dma_start3A_497] : memref<2x16x16xf32, #tpu.memory_space<hbm>> -> memref<1x16x16xf32, #tpu.memory_space<hbm>>
        %dma_start3A_499 = tpu.memref_squeeze %dma_start3A_498 : memref<1x16x16xf32, #tpu.memory_space<hbm>> -> memref<16x16xf32, #tpu.memory_space<hbm>>
        %dma_start3A_500 = arith.constant 0 : i32
        %dma_start3A_501 = arith.constant 0 : i32
        %dma_start3A_502 = tpu.memref_slice %arg6[%arg0, %dma_start3A_500, %dma_start3A_501] : memref<2x16x16xf32, #tpu.memory_space<hbm>> -> memref<1x16x16xf32, #tpu.memory_space<hbm>>
        %dma_start3A_503 = tpu.memref_squeeze %dma_start3A_502 : memref<1x16x16xf32, #tpu.memory_space<hbm>> -> memref<16x16xf32, #tpu.memory_space<hbm>>
        tpu.enqueue_dma source(%dma_start3A_503 : memref<16x16xf32, #tpu.memory_space<hbm>>) target(%arg13 : memref<16x16xf32, #tpu.memory_space<vmem>>) target_semaphore(%run_scoped3A : memref<!tpu.dma_semaphore, #tpu.memory_space<semaphore_mem>>)
        %dma_wait3A_504 = arith.constant 0 : i32
        %dma_wait3A_505 = arith.constant 0 : i32
        %dma_wait3A_506 = tpu.memref_slice %arg6[%arg0, %dma_wait3A_504, %dma_wait3A_505] : memref<2x16x16xf32, #tpu.memory_space<hbm>> -> memref<1x16x16xf32, #tpu.memory_space<hbm>>
        %dma_wait3A_507 = tpu.memref_squeeze %dma_wait3A_506 : memref<1x16x16xf32, #tpu.memory_space<hbm>> -> memref<16x16xf32, #tpu.memory_space<hbm>>
        %dma_wait3A_508 = arith.constant 0 : i32
        %dma_wait3A_509 = arith.constant 0 : i32
        %dma_wait3A_510 = tpu.memref_slice %arg6[%arg0, %dma_wait3A_508, %dma_wait3A_509] : memref<2x16x16xf32, #tpu.memory_space<hbm>> -> memref<1x16x16xf32, #tpu.memory_space<hbm>>
        %dma_wait3A_511 = tpu.memref_squeeze %dma_wait3A_510 : memref<1x16x16xf32, #tpu.memory_space<hbm>> -> memref<16x16xf32, #tpu.memory_space<hbm>>
        tpu.wait_dma2 semaphore(%run_scoped3A : memref<!tpu.dma_semaphore, #tpu.memory_space<semaphore_mem>>) src(%dma_wait3A_511 : memref<16x16xf32, #tpu.memory_space<hbm>>) dst(%arg13 : memref<16x16xf32, #tpu.memory_space<vmem>>)
        tpu.yield
      }) : () -> ()
      %get3A_415 = arith.constant 0 : i32
      %get3A_416 = arith.index_cast %get3A_415 : i32 to index
      %get3A_417 = arith.constant 0 : index
      %get3A_418 = tpu.vector_load %arg13[%get3A_416, %get3A_417] {strides = array<i32>} : memref<16x16xf32, #tpu.memory_space<vmem>>, vector<16xf32>,
      %get3A_419 = arith.constant 1 : i32
      %get3A_420 = arith.index_cast %get3A_419 : i32 to index
      %get3A_421 = arith.constant 0 : index
      %get3A_422 = tpu.vector_load %arg13[%get3A_420, %get3A_421] {strides = array<i32>} : memref<16x16xf32, #tpu.memory_space<vmem>>, vector<16xf32>,
      %add3A_423 = arith.addf %get3A_418, %get3A_422 : vector<16xf32>
      %get3A_424 = arith.constant 2 : i32
      %get3A_425 = arith.index_cast %get3A_424 : i32 to index
      %get3A_426 = arith.constant 0 : index
      %get3A_427 = tpu.vector_load %arg13[%get3A_425, %get3A_426] {strides = array<i32>} : memref<16x16xf32, #tpu.memory_space<vmem>>, vector<16xf32>,
      %add3A_428 = arith.addf %add3A_423, %get3A_427 : vector<16xf32>
      %get3A_429 = arith.constant 3 : i32
      %get3A_430 = arith.index_cast %get3A_429 : i32 to index
      %get3A_431 = arith.constant 0 : index
      %get3A_432 = tpu.vector_load %arg13[%get3A_430, %get3A_431] {strides = array<i32>} : memref<16x16xf32, #tpu.memory_space<vmem>>, vector<16xf32>,
      %add3A_433 = arith.addf %add3A_428, %get3A_432 : vector<16xf32>
      %get3A_434 = arith.constant 4 : i32
      %get3A_435 = arith.index_cast %get3A_434 : i32 to index
      %get3A_436 = arith.constant 0 : index
      %get3A_437 = tpu.vector_load %arg13[%get3A_435, %get3A_436] {strides = array<i32>} : memref<16x16xf32, #tpu.memory_space<vmem>>, vector<16xf32>,
      %add3A_438 = arith.addf %add3A_433, %get3A_437 : vector<16xf32>
      %get3A_439 = arith.constant 5 : i32
      %get3A_440 = arith.index_cast %get3A_439 : i32 to index
      %get3A_441 = arith.constant 0 : index
      %get3A_442 = tpu.vector_load %arg13[%get3A_440, %get3A_441] {strides = array<i32>} : memref<16x16xf32, #tpu.memory_space<vmem>>, vector<16xf32>,
      %add3A_443 = arith.addf %add3A_438, %get3A_442 : vector<16xf32>
      %get3A_444 = arith.constant 6 : i32
      %get3A_445 = arith.index_cast %get3A_444 : i32 to index
      %get3A_446 = arith.constant 0 : index
      %get3A_447 = tpu.vector_load %arg13[%get3A_445, %get3A_446] {strides = array<i32>} : memref<16x16xf32, #tpu.memory_space<vmem>>, vector<16xf32>,
      %add3A_448 = arith.addf %add3A_443, %get3A_447 : vector<16xf32>
      %get3A_449 = arith.constant 7 : i32
      %get3A_450 = arith.index_cast %get3A_449 : i32 to index
      %get3A_451 = arith.constant 0 : index
      %get3A_452 = tpu.vector_load %arg13[%get3A_450, %get3A_451] {strides = array<i32>} : memref<16x16xf32, #tpu.memory_space<vmem>>, vector<16xf32>,
      %add3A_453 = arith.addf %add3A_448, %get3A_452 : vector<16xf32>
      %get3A_454 = arith.constant 8 : i32
      %get3A_455 = arith.index_cast %get3A_454 : i32 to index
      %get3A_456 = arith.constant 0 : index
      %get3A_457 = tpu.vector_load %arg13[%get3A_455, %get3A_456] {strides = array<i32>} : memref<16x16xf32, #tpu.memory_space<vmem>>, vector<16xf32>,
      %add3A_458 = arith.addf %add3A_453, %get3A_457 : vector<16xf32>
      %get3A_459 = arith.constant 9 : i32
      %get3A_460 = arith.index_cast %get3A_459 : i32 to index
      %get3A_461 = arith.constant 0 : index
      %get3A_462 = tpu.vector_load %arg13[%get3A_460, %get3A_461] {strides = array<i32>} : memref<16x16xf32, #tpu.memory_space<vmem>>, vector<16xf32>,
      %add3A_463 = arith.addf %add3A_458, %get3A_462 : vector<16xf32>
      %get3A_464 = arith.constant 10 : i32
      %get3A_465 = arith.index_cast %get3A_464 : i32 to index
      %get3A_466 = arith.constant 0 : index
      %get3A_467 = tpu.vector_load %arg13[%get3A_465, %get3A_466] {strides = array<i32>} : memref<16x16xf32, #tpu.memory_space<vmem>>, vector<16xf32>,
      %add3A_468 = arith.addf %add3A_463, %get3A_467 : vector<16xf32>
      %get3A_469 = arith.constant 11 : i32
      %get3A_470 = arith.index_cast %get3A_469 : i32 to index
      %get3A_471 = arith.constant 0 : index
      %get3A_472 = tpu.vector_load %arg13[%get3A_470, %get3A_471] {strides = array<i32>} : memref<16x16xf32, #tpu.memory_space<vmem>>, vector<16xf32>,
      %add3A_473 = arith.addf %add3A_468, %get3A_472 : vector<16xf32>
      %get3A_474 = arith.constant 12 : i32
      %get3A_475 = arith.index_cast %get3A_474 : i32 to index
      %get3A_476 = arith.constant 0 : index
      %get3A_477 = tpu.vector_load %arg13[%get3A_475, %get3A_476] {strides = array<i32>} : memref<16x16xf32, #tpu.memory_space<vmem>>, vector<16xf32>,
      %add3A_478 = arith.addf %add3A_473, %get3A_477 : vector<16xf32>
      %get3A_479 = arith.constant 13 : i32
      %get3A_480 = arith.index_cast %get3A_479 : i32 to index
      %get3A_481 = arith.constant 0 : index
      %get3A_482 = tpu.vector_load %arg13[%get3A_480, %get3A_481] {strides = array<i32>} : memref<16x16xf32, #tpu.memory_space<vmem>>, vector<16xf32>,
      %add3A_483 = arith.addf %add3A_478, %get3A_482 : vector<16xf32>
      %get3A_484 = arith.constant 14 : i32
      %get3A_485 = arith.index_cast %get3A_484 : i32 to index
      %get3A_486 = arith.constant 0 : index
      %get3A_487 = tpu.vector_load %arg13[%get3A_485, %get3A_486] {strides = array<i32>} : memref<16x16xf32, #tpu.memory_space<vmem>>, vector<16xf32>,
      %add3A_488 = arith.addf %add3A_483, %get3A_487 : vector<16xf32>
      %get3A_489 = arith.constant 15 : i32
      %get3A_490 = arith.index_cast %get3A_489 : i32 to index
      %get3A_491 = arith.constant 0 : index
      %get3A_492 = tpu.vector_load %arg13[%get3A_490, %get3A_491] {strides = array<i32>} : memref<16x16xf32, #tpu.memory_space<vmem>>, vector<16xf32>,
      %add3A_493 = arith.addf %add3A_488, %get3A_492 : vector<16xf32>
      %swap3A_494 = arith.constant 0 : index
      %swap3A_495 = tpu.vector_load %arg12[%swap3A_494] {strides = array<i32>} : memref<16xf32, #tpu.memory_space<vmem>>, vector<16xf32>,
      tpu.vector_store %arg12[%swap3A_494], %add3A_493 {strides = array<i32>} : memref<16xf32, #tpu.memory_space<vmem>>, vector<16xf32>,
      "tpu.region"() ({
        %run_scoped3A = tpu.sem_alloc : memref<!tpu.dma_semaphore, #tpu.memory_space<semaphore_mem>>
        %dma_start3A_496 = arith.constant 0 : i32
        %dma_start3A_497 = tpu.memref_slice %arg5[%arg0, %dma_start3A_496] : memref<2x16xf32, #tpu.memory_space<hbm>> -> memref<1x16xf32, #tpu.memory_space<hbm>>
        %dma_start3A_498 = tpu.memref_squeeze %dma_start3A_497 : memref<1x16xf32, #tpu.memory_space<hbm>> -> memref<16xf32, #tpu.memory_space<hbm>>
        %dma_start3A_499 = arith.constant 0 : i32
        %dma_start3A_500 = tpu.memref_slice %arg5[%arg0, %dma_start3A_499] : memref<2x16xf32, #tpu.memory_space<hbm>> -> memref<1x16xf32, #tpu.memory_space<hbm>>
        %dma_start3A_501 = tpu.memref_squeeze %dma_start3A_500 : memref<1x16xf32, #tpu.memory_space<hbm>> -> memref<16xf32, #tpu.memory_space<hbm>>
        tpu.enqueue_dma source(%arg12 : memref<16xf32, #tpu.memory_space<vmem>>) target(%dma_start3A_501 : memref<16xf32, #tpu.memory_space<hbm>>) target_semaphore(%run_scoped3A : memref<!tpu.dma_semaphore, #tpu.memory_space<semaphore_mem>>)
        %dma_wait3A_502 = arith.constant 0 : i32
        %dma_wait3A_503 = tpu.memref_slice %arg5[%arg0, %dma_wait3A_502] : memref<2x16xf32, #tpu.memory_space<hbm>> -> memref<1x16xf32, #tpu.memory_space<hbm>>
        %dma_wait3A_504 = tpu.memref_squeeze %dma_wait3A_503 : memref<1x16xf32, #tpu.memory_space<hbm>> -> memref<16xf32, #tpu.memory_space<hbm>>
        %dma_wait3A_505 = arith.constant 0 : i32
        %dma_wait3A_506 = tpu.memref_slice %arg5[%arg0, %dma_wait3A_505] : memref<2x16xf32, #tpu.memory_space<hbm>> -> memref<1x16xf32, #tpu.memory_space<hbm>>
        %dma_wait3A_507 = tpu.memref_squeeze %dma_wait3A_506 : memref<1x16xf32, #tpu.memory_space<hbm>> -> memref<16xf32, #tpu.memory_space<hbm>>
        tpu.wait_dma2 semaphore(%run_scoped3A : memref<!tpu.dma_semaphore, #tpu.memory_space<semaphore_mem>>) src(%arg12 : memref<16xf32, #tpu.memory_space<vmem>>) dst(%dma_wait3A_507 : memref<16xf32, #tpu.memory_space<hbm>>)
        tpu.yield
      }) : () -> ()
    } else {
    }
    return
  }
}

</mosaic_0001>

<sc_bundles>
// kernel: kernel.3.cloned.1.call-start
scs
__scs_entry_jumppad:
0x0: {  	(pc) =	sbr.rel $0x88, $3  }
0x1: {  	(tag) =	ssettag $0x0;
	lr =	simm.s32 $0x1  }
0x2: {  	[smem:$0x3F9D] =	sst lr;
	_ =	strace $0xD0000000  }
0x3: {  	_ = 	snop  }
0x4: {  	_ = 	snop  }
0x5: {  	_ = 	snop  }
0x6: {  	_ = 	snop  }
0x7: {  	_ = 	snop  }
__scs_overlays_trampoline_lowered:
0x8: {  	[smem:$0x3FAC] =	sst s0  }
0x9: {  	[smem:$0x3FAD] =	sst s1  }
0xa: {  	[smem:$0x3FAE] =	sst s2  }
0xb: {  	[smem:$0x3FAF] =	sst s3  }
0xc: {  	[smem:$0x3FB0] =	sst s4  }
0xd: {  	[smem:$0x3FB1] =	sst s5  }
0xe: {  	[smem:$0x3FB2] =	sst s6  }
0xf: {  	[smem:$0x3FB3] =	sst s7  }
0x10: {  	[smem:$0x3FB4] =	sst s8  }
0x11: {  	[smem:$0x3FB5] =	sst s9;
	s0 =	simm.s32 @!p0 $0x0  }
0x12: {  	s1 =	sld [smem:$0x3F9B];
	s0 =	simm.s32 @p0 $0x1  }
0x13: {  	[smem:$0x3FB6] =	sst s0;
	s0 =	simm.s32 @!p1 $0x0  }
0x14: {  	s2 =	sld [smem:$0x3F9A];
	s0 =	simm.s32 @p1 $0x1  }
0x15: {  	[smem:$0x3FB7] =	sst s0;
	s0 =	simm.s32 @!p2 $0x0  }
0x16: {  	s3 =	sld [smem:$0x3FDB];
	s0 =	simm.s32 @p2 $0x1  }
0x17: {  	s4 =	simm.s32 $0x1BF5;
	[smem:$0x3FB9] =	sst s0  }
0x18: {  	s0 =	sld [smem:$0x3F9C];
	_ =	swait.ge [sflag:s4], $0x0  }
0x19: {  	s7 =	sld [smem:$0x3F9D]  }
0x1a: {  	s8 =	sadd.s32 $0xFFFFE003, lr  }
0x1b: {  	s9 =	sadd.s32 $0xFFFFFEF7, lr;
	s5 =	simm.s32 $0xFFFFFFFF;
	p2 =	slt.u32 s8, $0xFFFFF086  }
0x1c: {  	p1 =	slt.u32 s9, $0xF7A;
	s5 =	simm.s32 @!p2 $0x0  }
0x1d: {  	s5 =	simm.s32 @p1 $0x1;
	p0 =	seq.s32 s7, s2  }
0x1e: {  	s7 =	smul.u32 @!p0 $0xF7A, s2;
	p2 =	seq.s32 @!p0 s5, $0x0  }
0x1f: {  	s9 =	smul.u32 $0xF7A, s1;
	s8 =	simm.s32 @!p0 $0x1BF5;
	p2 =	por !p2, p0  }
0x20: {  	[sflag:s8] =	ssyncset.s32 @!p0 $0xFFFFF086;
	s6 =	sadd.s32 @!p0 s3, s7;
	s7 =	simm.s32 @!p0 $0x108  }
0x21: {  	s3 =	sadd.s32 s3, s9;
	s6 =	sadd.s32 @!p0 $0x88, s6;
	s7 =	simm.s32 @p2 $0x1082  }
0x22: {  	[simem:s7], [sflag:s8] =	dma.local @!p0 [hbm:s6], $0xF7A  }
0x23: {  	s9 =	sor.u32 $0xD0000000, s2;
	s6 =	simm.s32 $0x108;
	_ =	swait.ge @!p0 [sflag:s8], $0x0  }
0x24: {  	s3 =	sadd.s32 $0x88, s3;
	s6 =	simm.s32 @!p1 $0x1082;
	[sflag:s4] =	ssyncset.s32 $0xFFFFF086  }
0x25: {  	[simem:s6], [sflag:s4] =	dma.local [hbm:s3], $0xF7A  }
0x26: {  	[smem:$0x3F9D] =	sst s1;
	(tag) =	ssettag s2;
	_ =	strace s9  }
0x27: {  	s1 =	sld [smem:$0x3FAD]  }
0x28: {  	s2 =	sld [smem:$0x3FAE]  }
0x29: {  	s4 =	sld [smem:$0x3FB0]  }
0x2a: {  	p0 =	seq.s32 s5, $0x0;
	s5 =	sld [smem:$0x3FB1]  }
0x2b: {  	s6 =	sld [smem:$0x3FB2]  }
0x2c: {  	s7 =	sld [smem:$0x3FB3]  }
0x2d: {  	s3 =	simm.s32 $0x108;
	s8 =	sld [smem:$0x3FB4]  }
0x2e: {  	s3 =	simm.s32 @!p0 $0x1082;
	s9 =	sld [smem:$0x3FB5]  }
0x2f: {  	lr =	sadd.s32 s0, s3;
	s0 =	sld [smem:$0x3FAC]  }
0x30: {  	s3 =	sld [smem:$0x3FAF]  }
0x31: {  	[smem:$0x3FB8] =	sst s10  }
0x32: {  	s10 =	sld [smem:$0x3FB6];
	_ =	sdelay $0x3  }
0x33: {  	p0 =	seq.s32 s10, $0x1;
	s10 =	sld [smem:$0x3FB8];
	_ =	sdelay $0x3  }
0x34: {  	[smem:$0x3FB8] =	sst s10  }
0x35: {  	s10 =	sld [smem:$0x3FB7];
	_ =	sdelay $0x3  }
0x36: {  	p1 =	seq.s32 s10, $0x1;
	s10 =	sld [smem:$0x3FB8];
	_ =	sdelay $0x3  }
0x37: {  	[smem:$0x3FB8] =	sst s10  }
0x38: {  	s10 =	sld [smem:$0x3FB9]  }
0x39: {  	_ = 	snop;
	(pc) =	sbr.ind lr, $3  }
0x3a: {  	_ = 	snop  }
0x3b: {  	_ = 	snop  }
0x3c: {  	p2 =	seq.s32 s10, $0x1;
	s10 =	sld [smem:$0x3FB8]  }
0x3d: {  	_ =	shalt  }
0x3e: {  	_ =	shalt  }
0x3f: {  	_ =	shalt  }
0x40: {  	_ =	shalt  }
0x41: {  	_ =	shalt  }
0x42: {  	_ =	shalt  }
0x43: {  	_ =	shalt  }
0x44: {  	_ =	shalt  }
0x45: {  	_ =	shalt  }
0x46: {  	_ =	shalt  }
0x47: {  	_ =	shalt  }
0x48: {  	_ =	shalt  }
0x49: {  	_ =	shalt  }
0x4a: {  	_ =	shalt  }
0x4b: {  	_ =	shalt  }
0x4c: {  	_ =	shalt  }
0x4d: {  	_ =	shalt  }
0x4e: {  	_ =	shalt  }
0x4f: {  	_ =	shalt  }
0x50: {  	_ =	shalt  }
0x51: {  	_ =	shalt  }
0x52: {  	_ =	shalt  }
0x53: {  	_ =	shalt  }
0x54: {  	_ =	shalt  }
0x55: {  	_ =	shalt  }
0x56: {  	_ =	shalt  }
0x57: {  	_ =	shalt  }
0x58: {  	_ =	shalt  }
0x59: {  	_ =	shalt  }
0x5a: {  	_ =	shalt  }
0x5b: {  	_ =	shalt  }
0x5c: {  	_ =	shalt  }
0x5d: {  	_ =	shalt  }
0x5e: {  	_ =	shalt  }
0x5f: {  	_ =	shalt  }
0x60: {  	_ =	shalt  }
0x61: {  	_ =	shalt  }
0x62: {  	_ =	shalt  }
0x63: {  	_ =	shalt  }
0x64: {  	_ =	shalt  }
0x65: {  	_ =	shalt  }
0x66: {  	_ =	shalt  }
0x67: {  	_ =	shalt  }
0x68: {  	_ =	shalt  }
0x69: {  	_ =	shalt  }
0x6a: {  	_ =	shalt  }
0x6b: {  	_ =	shalt  }
0x6c: {  	_ =	shalt  }
0x6d: {  	_ =	shalt  }
0x6e: {  	_ =	shalt  }
0x6f: {  	_ =	shalt  }
0x70: {  	_ =	shalt  }
0x71: {  	_ =	shalt  }
0x72: {  	_ =	shalt  }
0x73: {  	_ =	shalt  }
0x74: {  	_ =	shalt  }
0x75: {  	_ =	shalt  }
0x76: {  	_ =	shalt  }
0x77: {  	_ =	shalt  }
0x78: {  	_ =	shalt  }
0x79: {  	_ =	shalt  }
0x7a: {  	_ =	shalt  }
0x7b: {  	_ =	shalt  }
0x7c: {  	_ =	shalt  }
0x7d: {  	_ =	shalt  }
0x7e: {  	_ =	shalt  }
0x7f: {  	_ =	shalt  }
0x80: {  	_ =	shalt  }
0x81: {  	_ =	shalt  }
0x82: {  	_ =	shalt  }
0x83: {  	_ =	shalt  }
0x84: {  	_ =	shalt  }
0x85: {  	_ =	shalt  }
0x86: {  	_ =	shalt  }
0x87: {  	_ =	shalt  }
.Lfunc_end0:
.L_simem_size_0:
called_computation_lowered:
.L_overlay_start_0:
0x88: {  	s2 =	sld [smem:$0x3FD9]  }
0x89: {  	s3 =	sld [smem:$0x3FFE];
	_ =	sdelay $0x1  }
0x8a: {  	s1 =	srdreg.scid  }
0x8b: {  	s0 =	sand.u32 $0x1, s1  }
0x8c: {  	s15 =	sshll.u32 s0, $0xA;
	s2 =	sadd.s32 s3, s2  }
0x8d: {  	s2 =	sadd.s32 s2, s15  }
0x8e: {  	[smem:$0x3FC4] =	sst s2  }
0x8f: {  	_ = 	snop  }
0x90: {  	s2 =	sld [smem:$0x3FD0]  }
0x91: {  	s16 =	sld [smem:$0x3FC9]  }
0x92: {  	s4 =	sld [smem:$0x3FC8]  }
0x93: {  	s6 =	simm.s32 $0xA;
	s7 =	simm.s32 $0x10;
	s5 =	sld [smem:$0x3FC7]  }
0x94: {  	[smem:s7], [sflag:s6] =	dma.local [hbm:s2], $0x1  }
0x95: {  	_ =	swait.eq [sflag:s6], $0x1  }
0x96: {  	[sflag:s6] =	ssyncset.done $0x0  }
0x97: {  	s17 =	sld [smem:$0x11];
	[sflag:s6] =	ssyncadd.s32 $0xFFFFFFFF  }
0x98: {  	s18 =	sld [smem:$0x13];
	(tm) =	ssettm $0x1  }
0x99: {  	s19 =	sld [smem:$0x3FFB];
	_ =	sdelay $0x3  }
0x9a: {  	_ =	strace s19  }
0x9b: {  	s7 =	sld [smem:$0x3FFC];
	_ =	sdelay $0x3  }
0x9c: {  	_ =	strace s7  }
0x9d: {  	s7 =	sld [smem:$0x3FFD];
	_ =	sdelay $0x3  }
0x9e: {  	_ =	strace s7  }
0x9f: {  	_ =	strace $0x8FFFFFFF  }
0xa0: {  	s20 =	sld [smem:$0x3FDB];
	_ =	sdelay $0x1  }
0xa1: {  	s8 =	simm.s32 $_scs_section_size  }
0xa2: {  	s9 =	simm.s32 $_size__tile_overlayer_lowered;
	s10 =	simm.s32 $_tile_overlayer_lowered  }
0xa3: {  	s23 =	simm.s32 $0x1BFF;
	s22 =	sshll.u32 s10, $0x1;
	s7 =	sadd.s32 s8, s20  }
0xa4: {  	s11 =	simm.s32 $0x0;
	s21 =	sshll.u32 s9, $0x1;
	s9 =	sadd.s32 s22, s7  }
0xa5: {  	[timem:s11], [sflag:s23] =	dma.local [hbm:s9], s21  }
0xa6: {  	_ =	swait.ge [sflag:s23], s21  }
0xa7: {  	s8 =	ssub.s32 $0x0, s21;
	[sflag:s23] =	ssyncset.done $0x0  }
0xa8: {  	[sflag:s23] =	ssyncadd.s32 s8;
	_ =	sdelay $0x1  }
0xa9: {  	s24 =	simm.s32 $0x1B8B  }
0xaa: {  	_ =	swait.ge [sflag:s24], $0x1  }
0xab: {  	[sflag:s24] =	ssyncset.done $0x0  }
0xac: {  	s25 =	simm.s32 $0x1B8E;
	[sflag:s24] =	ssyncadd.s32 $0xFFFFFFFF  }
0xad: {  	s26 =	simm.s32 $execute0_lowered;
	[smem:$0x3FD2] =	sst s25  }
0xae: {  	s8 =	sshll.u32 s26, $0x1;
	_ =	strace $0x80000046;
	[dreg:$0x1] =	wrdreg $0xFFFFFFFF  }
0xaf: {  	s28 =	simm.s32 $_size_execute0_lowered;
	s7 =	sadd.s32 s7, s8;
	[dreg:$0x0] =	wrdreg $0x0  }
0xb0: {  	s8 =	sshll.u32 s28, $0x1;
	[dreg:$0x2] =	wrdreg s7  }
0xb1: {  	[dreg:$0x3] =	wrdreg s8  }
0xb2: {  	[dreg:$0x4] =	wrdreg $0xC0  }
0xb3: {  	_ =	task [dreg:s11], $0x5FFFF  }
0xb4: {  	[dreg:$0x1] =	wrdreg $0xFFFFFFFF  }
0xb5: {  	[dreg:$0x0] =	wrdreg $0x60  }
0xb6: {  	[dreg:$0x2] =	wrdreg s16  }
0xb7: {  	[dreg:$0x3] =	wrdreg s4  }
0xb8: {  	[dreg:$0x4] =	wrdreg s5  }
0xb9: {  	[dreg:$0x5] =	wrdreg s18  }
0xba: {  	[dreg:$0x6] =	wrdreg s17  }
0xbb: {  	[dreg:$0x7] =	wrdreg $0x9  }
0xbc: {  	_ =	task.clear_ibuf [dreg:s11], $0x8FFFF;
	_ =	strace $0x90000046  }
0xbd: {  	s29 =	simm.s32 $0x9;
	_ =	strace $0x80000048  }
0xbe: {  	_ =	swait.ge [sflag:s29], $0x1  }
0xbf: {  	[sflag:s29] =	ssyncadd.s32 $0xFFFFFFFF  }
0xc0: {  	_ =	strace $0x90000048  }
0xc1: {  	_ =	sfence  }
0xc2: {  	s30 =	sld [smem:$0x0];
	_ =	sdelay $0x2  }
0xc3: {  	s31 =	sshll.u32 s1, $0xD;
	s1 =	sshrl.u32 s1, $0x2  }
0xc4: {  	s3 =	sand.u32 $0x4000, s31;
	s1 =	sadd.s32 s1, s30  }
0xc5: {  	s0 =	sor.u32 s3, s0;
	s1 =	sshll.u32 s1, $0x11  }
0xc6: {  	s0 =	sor.u32 s1, s0  }
0xc7: {  	s0 =	sadd.s32 $0x8F2B, s0  }
0xc8: {  	[sflag:s0] =	ssyncadd.remote.s32 $0x1  }
0xc9: {  	_ =	sfence.sel $0xFFFF  }
0xca: {  	[dreg:$0x0] =	wrdreg $0xFFFFFFFF;
	(pc) =	sbr.abs _section_cstart, $3  }
0xcb: {  	[dreg:$0x1] =	wrdreg $0xFFFFFFFF  }
0xcc: {  	_ =	task.clear_ibuf [dreg:s11], $0x2FFFF;
	_ =	strace $0x9FFFFFFF  }
0xcd: {  	(tm) =	ssettm $0x7FFFFFFF  }
tec
execute0_lowered:
.L_overlay_start_1:
0x0: {  	(tag) =	ssettag $0x1  }
0x1: {  	s0 =	rddreg [dreg:$0x0]  }
0x2: {  	s9 =	rddreg [dreg:$0x1]  }
0x3: {  	s1 =	srdreg.scid;
	s10 =	rddreg [dreg:$0x2]  }
0x4: {  	s13 =	rddreg [dreg:$0x3];
	s17 =	stileid.u32  }
0x5: {  	s12 =	rddreg [dreg:$0x4];
	s20 =	simm.s32 $0x1;
	s21 =	simm.s32 $0x2  }
0x6: {  	s22 =	simm.s32 $0x3;
	s23 =	simm.s32 $0x2580;
	s24 =	simm.s32 $0x2D80  }
0x7: {  	s28 =	simm.s32 $0x6;
	s29 =	simm.s32 $0x3580;
	s30 =	simm.s32 $0x7  }
0x8: {  	s31 =	simm.s32 $0x0;
	s11 =	sand.u32 $0x1, s1;
	s1 =	simm.s32 $0x0  }
0x9: {  	s16 =	sshll.u32 s17, $0x4;
	s8 =	sadd.s32 $0x30C0, s0;
	p0 =	sne.s32 s17, $0x0  }
0xa: {  	s14 =	sshll.u32 s11, $0x4;
	[smem:$0x7FF] =	sst s1;
	s3 =	ssub.s32 $0x2, s11  }
0xb: {  	s25 =	sshll.u32 s11, $0x8;
	s26 =	sadd.s32 s12, s16;
	s16 =	simm.s32 $0x1900  }
0xc: {  	s18 =	sor.u32 s17, s14;
	_ =	strace $0x80000047;
	s4 =	sshrl.u32 s3, $0x1  }
0xd: {  	s11 =	sadd.s32 s25, s26;
	s12 =	sadd.s32 s12, s25;
	s13 =	sadd.s32 s13, s14  }
0xe: {  	s25 =	simm.s32 $0x4;
	s26 =	simm.s32 $0x5;
	s2 =	smul.u32 $0xC30, s18  }
.Ltmp0:
0xf: {  	s15 =	ssub.s32 s3, s4;
	p1 =	sne.s32 s18, $0x1F;
	(pc) =	sbr.rel .LBB2_1-.Ltmp0, $4  }
0x10: {  	s14 =	smax.u32 s15, $0x1;
	s15 =	simm.s32 $0xC80;
	s5 =	sshrl.u32 s2, $0x3  }
0x11: {  	s2 =	sadd.s32 s0, s5;
	s7 =	sadd.s32 $0xC4, s5;
	s3 =	sadd.s32 s9, s5  }
0x12: {  	v1 =	vlaneseq.u32;
	s4 =	sadd.s32 s10, s5;
	s5 =	sadd.s32 s0, s7;
	s6 =	sadd.s32 s9, s7  }
0x13: {  	v0 =	vimm.f32 $0.0e+00;
	v1 =	vmul.u32 $0x80, v1;
	s7 =	sadd.s32 s10, s7;
	s9 =	sadd.s32 $0x30C0, s9;
	s10 =	sadd.s32 $0x30C0, s10  }
.LBB2_7:
0x14: {  	v2 =	vld [tilespmem:$0x2580]  }
0x15: {  	v3 =	vld [tilespmem:$0x2D80];
	_ =	sdelay $0x1  }
0x16: {  	v4 =	vld [tilespmem:$0x2600];
	_ =	sdelay $0x1  }
0x17: {  	v5 =	vld [tilespmem:$0x2E00]  }
0x18: {  	v2 =	vadd.f32 v3, v2  }
0x19: {  	v3 =	vld [tilespmem:$0x2680]  }
0x1a: {  	v2 =	vadd.f32 v4, v2  }
0x1b: {  	v46 =	vld [tilespmem:$0x2E80]  }
0x1c: {  	v2 =	vadd.f32 v5, v2  }
0x1d: {  	v47 =	vld [tilespmem:$0x2700]  }
0x1e: {  	v2 =	vadd.f32 v3, v2  }
0x1f: {  	v3 =	vld [tilespmem:$0x2F00]  }
0x20: {  	v2 =	vadd.f32 v46, v2  }
0x21: {  	v48 =	vld [tilespmem:$0x2780]  }
0x22: {  	v2 =	vadd.f32 v47, v2  }
0x23: {  	v49 =	vld [tilespmem:$0x2F80]  }
0x24: {  	v2 =	vadd.f32 v3, v2  }
0x25: {  	v3 =	vld [tilespmem:$0x2800]  }
0x26: {  	v2 =	vadd.f32 v48, v2  }
0x27: {  	v50 =	vld [tilespmem:$0x3000]  }
0x28: {  	v2 =	vadd.f32 v49, v2  }
0x29: {  	v51 =	vld [tilespmem:$0x2880]  }
0x2a: {  	v2 =	vadd.f32 v3, v2  }
0x2b: {  	v3 =	vld [tilespmem:$0x3080]  }
0x2c: {  	v2 =	vadd.f32 v50, v2  }
0x2d: {  	v52 =	vld [tilespmem:$0x2900]  }
0x2e: {  	v2 =	vadd.f32 v51, v2  }
0x2f: {  	v53 =	vld [tilespmem:$0x3100]  }
0x30: {  	v2 =	vadd.f32 v3, v2  }
0x31: {  	v3 =	vld [tilespmem:$0x2980]  }
0x32: {  	v2 =	vadd.f32 v52, v2  }
0x33: {  	v54 =	vld [tilespmem:$0x3180]  }
0x34: {  	v2 =	vadd.f32 v53, v2  }
0x35: {  	v55 =	vld [tilespmem:$0x2A00]  }
0x36: {  	v2 =	vadd.f32 v3, v2  }
0x37: {  	v3 =	vld [tilespmem:$0x3200]  }
0x38: {  	v2 =	vadd.f32 v54, v2  }
0x39: {  	v56 =	vld [tilespmem:$0x2A80]  }
0x3a: {  	v2 =	vadd.f32 v55, v2  }
0x3b: {  	v57 =	vld [tilespmem:$0x3280]  }
0x3c: {  	v2 =	vadd.f32 v3, v2  }
0x3d: {  	v3 =	vld [tilespmem:$0x2B00]  }
0x3e: {  	v2 =	vadd.f32 v56, v2  }
0x3f: {  	v58 =	vld [tilespmem:$0x3300]  }
0x40: {  	v2 =	vadd.f32 v57, v2  }
0x41: {  	v59 =	vld [tilespmem:$0x2B80]  }
0x42: {  	v2 =	vadd.f32 v3, v2  }
0x43: {  	v3 =	vld [tilespmem:$0x3380]  }
0x44: {  	v2 =	vadd.f32 v58, v2  }
0x45: {  	v60 =	vld [tilespmem:$0x2C00]  }
0x46: {  	v2 =	vadd.f32 v59, v2  }
0x47: {  	v61 =	vld [tilespmem:$0x3400]  }
0x48: {  	v2 =	vadd.f32 v3, v2  }
0x49: {  	v3 =	vld [tilespmem:$0x2C80]  }
0x4a: {  	v2 =	vadd.f32 v60, v2  }
0x4b: {  	v62 =	vld [tilespmem:$0x3480]  }
0x4c: {  	v2 =	vadd.f32 v61, v2  }
0x4d: {  	v63 =	vld [tilespmem:$0x2D00]  }
0x4e: {  	v2 =	vadd.f32 v3, v2  }
0x4f: {  	v3 =	vld [tilespmem:$0x3500]  }
0x50: {  	v2 =	vadd.f32 v62, v2;
	_ =	sdelay $0x1  }
0x51: {  	v2 =	vadd.f32 v63, v2;
	_ =	sdelay $0x1  }
0x52: {  	v2 =	vadd.f32 v3, v2;
	_ =	sdelay $0x1  }
0x53: {  	[tilespmem:$0x3580] =	vst v2  }
0x54: {  	[hbm4b:s11+s1] =	stream.linear.scatter [tilespmem:s29], [sflag:$0x7], $0x80, $0x38;
	[tilespmem:$0x3E00] =	vst v63  }
0x55: {  	_ =	swait.ge [sflag:s30], $0x80  }
0x56: {  	[sflag:s30] =	ssyncset.done $0x0  }
0x57: {  	[sflag:s30] =	ssyncadd.s32 $0xFFFFFF80  }
0x58: {  	s0 =	simm.s32 @!p0 $0x0;
	s17 =	simm.s32 @!p0 $0x3600;
	[bflag:$0x0] =	sbarrier.arrive $0xFFFF  }
0x59: {  	[tilespmem:s17], [sflag:$0x7] =	stream.linear.gather @!p0 [hbm4b:s12+s0], $0x800, $0x38;
	[tilespmem:$0x3E00] =	vst v63  }
0x5a: {  	s17 =	simm.s32 @!p0 $0x7  }
0x5b: {  	_ =	swait.ge @!p0 [sflag:s17], $0x800  }
0x5c: {  	[sflag:s17] =	ssyncset.done @!p0 $0x0  }
0x5d: {  	[sflag:s17] =	ssyncadd.s32 @!p0 $0xFFFFF800  }
0x5e: {  	v2 =	vld @!p0 [tilespmem:$0x3600]  }
0x5f: {  	v3 =	vld @!p0 [tilespmem:$0x3680];
	_ =	sdelay $0x1  }
0x60: {  	v4 =	vld @!p0 [tilespmem:$0x3700];
	_ =	sdelay $0x1  }
0x61: {  	v5 =	vld @!p0 [tilespmem:$0x3780]  }
0x62: {  	v2 =	vadd.f32 @!p0 v3, v2  }
0x63: {  	v3 =	vld @!p0 [tilespmem:$0x3800]  }
0x64: {  	v2 =	vadd.f32 @!p0 v4, v2  }
0x65: {  	v4 =	vld @!p0 [tilespmem:$0x3880]  }
0x66: {  	v2 =	vadd.f32 @!p0 v5, v2  }
0x67: {  	v5 =	vld @!p0 [tilespmem:$0x3900]  }
0x68: {  	v2 =	vadd.f32 @!p0 v3, v2  }
0x69: {  	v3 =	vld @!p0 [tilespmem:$0x3980]  }
0x6a: {  	v2 =	vadd.f32 @!p0 v4, v2  }
0x6b: {  	v4 =	vld @!p0 [tilespmem:$0x3A00]  }
0x6c: {  	v2 =	vadd.f32 @!p0 v5, v2  }
0x6d: {  	v5 =	vld @!p0 [tilespmem:$0x3A80]  }
0x6e: {  	v2 =	vadd.f32 @!p0 v3, v2  }
0x6f: {  	v3 =	vld @!p0 [tilespmem:$0x3B00]  }
0x70: {  	v2 =	vadd.f32 @!p0 v4, v2  }
0x71: {  	v4 =	vld @!p0 [tilespmem:$0x3B80]  }
0x72: {  	v2 =	vadd.f32 @!p0 v5, v2  }
0x73: {  	v5 =	vld @!p0 [tilespmem:$0x3C00]  }
0x74: {  	v2 =	vadd.f32 @!p0 v3, v2  }
0x75: {  	v3 =	vld @!p0 [tilespmem:$0x3C80]  }
0x76: {  	v2 =	vadd.f32 @!p0 v4, v2  }
0x77: {  	v4 =	vld @!p0 [tilespmem:$0x3D00]  }
0x78: {  	v2 =	vadd.f32 @!p0 v5, v2  }
0x79: {  	v5 =	vld @!p0 [tilespmem:$0x3D80]  }
0x7a: {  	v2 =	vadd.f32 @!p0 v3, v2;
	_ =	sdelay $0x1  }
0x7b: {  	v2 =	vadd.f32 @!p0 v4, v2;
	_ =	sdelay $0x1  }
0x7c: {  	s31 =	sadd.s32 $0x1, s31;
	v2 =	vadd.f32 @!p0 v5, v2  }
0x7d: {  	p2 =	sne.s32 s31, s14  }
.Ltmp1:
0x7e: {  	s18 =	simm.s32 @!p0 $0x3580;
	[tilespmem:$0x3580] =	vst @!p0 v2;
	(pc) =	sbr.rel @!p2 .LBB2_8-.Ltmp1, $4  }
0x7f: {  	[hbm4b:s13+s0] =	stream.linear.scatter @!p0 [tilespmem:s18], [sflag:$0x7], $0x80, $0x38;
	[tilespmem:$0x3E00] =	vst v63  }
0x80: {  	_ =	swait.ge @!p0 [sflag:s17], $0x80  }
0x81: {  	[sflag:s17] =	ssyncset.done @!p0 $0x0  }
0x82: {  	[sflag:s17] =	ssyncadd.s32 @!p0 $0xFFFFFF80  }
.LBB2_1:
0x83: {  	[tilespmem:s1], [sflag:$0x1] =	stream.linear.gather [hbm4b:s2+s1], $0x620, $0x38;
	[tilespmem:$0x3E00] =	vst v63  }
0x84: {  	_ = 	snop  }
0x85: {  	[tilespmem:s15], [sflag:$0x2] =	stream.linear.gather [hbm4b:s3+s1], $0x620, $0x38;
	[tilespmem:$0x3E00] =	vst v63  }
0x86: {  	_ = 	snop  }
0x87: {  	[tilespmem:s16], [sflag:$0x3] =	stream.linear.gather [hbm4b:s4+s1], $0x620, $0x38;
	[tilespmem:$0x3E00] =	vst v63  }
0x88: {  	s0 =	simm.s32 $0x620  }
0x89: {  	[tilespmem:s0], [sflag:$0x4] =	stream.linear.gather [hbm4b:s5+s1], $0x610, $0x38;
	[tilespmem:$0x3E00] =	vst v63  }
0x8a: {  	s18 =	simm.s32 $0x12A0  }
0x8b: {  	[tilespmem:s18], [sflag:$0x5] =	stream.linear.gather [hbm4b:s6+s1], $0x610, $0x38;
	[tilespmem:$0x3E00] =	vst v63  }
0x8c: {  	s19 =	simm.s32 $0x1F20  }
0x8d: {  	[tilespmem:s19], [sflag:$0x6] =	stream.linear.gather [hbm4b:s7+s1], $0x610, $0x38;
	[tilespmem:$0x3E00] =	vst v63  }
0x8e: {  	[tilespmem:$0x2580] =	vst v0  }
0x8f: {  	[tilespmem:$0x2D80] =	vst v0  }
0x90: {  	[tilespmem:$0x2600] =	vst v0  }
0x91: {  	[tilespmem:$0x2E00] =	vst v0  }
0x92: {  	[tilespmem:$0x2680] =	vst v0  }
0x93: {  	[tilespmem:$0x2E80] =	vst v0  }
0x94: {  	[tilespmem:$0x2700] =	vst v0  }
0x95: {  	[tilespmem:$0x2F00] =	vst v0  }
0x96: {  	[tilespmem:$0x2780] =	vst v0  }
0x97: {  	[tilespmem:$0x2F80] =	vst v0  }
0x98: {  	[tilespmem:$0x2800] =	vst v0  }
0x99: {  	[tilespmem:$0x3000] =	vst v0  }
0x9a: {  	[tilespmem:$0x2880] =	vst v0  }
0x9b: {  	[tilespmem:$0x3080] =	vst v0  }
0x9c: {  	[tilespmem:$0x2900] =	vst v0  }
0x9d: {  	[tilespmem:$0x3100] =	vst v0  }
0x9e: {  	[tilespmem:$0x2980] =	vst v0  }
0x9f: {  	[tilespmem:$0x3180] =	vst v0  }
0xa0: {  	[tilespmem:$0x2A00] =	vst v0  }
0xa1: {  	[tilespmem:$0x3200] =	vst v0  }
0xa2: {  	[tilespmem:$0x2A80] =	vst v0  }
0xa3: {  	[tilespmem:$0x3280] =	vst v0  }
0xa4: {  	[tilespmem:$0x2B00] =	vst v0  }
0xa5: {  	[tilespmem:$0x3300] =	vst v0  }
0xa6: {  	[tilespmem:$0x2B80] =	vst v0  }
0xa7: {  	[tilespmem:$0x3380] =	vst v0  }
0xa8: {  	[tilespmem:$0x2C00] =	vst v0  }
0xa9: {  	[tilespmem:$0x3400] =	vst v0  }
0xaa: {  	[tilespmem:$0x2C80] =	vst v0  }
0xab: {  	[tilespmem:$0x3480] =	vst v0  }
0xac: {  	[tilespmem:$0x2D00] =	vst v0  }
0xad: {  	[tilespmem:$0x3500] =	vst v0  }
0xae: {  	_ =	swait.ge [sflag:s20], $0x620  }
0xaf: {  	[sflag:s20] =	ssyncset.done $0x0  }
0xb0: {  	[sflag:s20] =	ssyncadd.s32 $0xFFFFF9E0  }
0xb1: {  	_ =	swait.ge [sflag:s21], $0x620  }
0xb2: {  	[sflag:s21] =	ssyncset.done $0x0  }
0xb3: {  	[sflag:s21] =	ssyncadd.s32 $0xFFFFF9E0  }
0xb4: {  	_ =	swait.ge [sflag:s22], $0x620  }
0xb5: {  	s17 =	simm.s32 $0x1940;
	s0 =	simm.s32 $0xFFFFFFFC;
	[sflag:s22] =	ssyncset.done $0x0  }
0xb6: {  	s18 =	simm.s32 $0xCC0;
	s19 =	simm.s32 $0x40;
	[sflag:s22] =	ssyncadd.s32 $0xFFFFF9E0  }
.LBB2_2:
0xb7: {  	v2 =	vld [tilespmem:s17+$0xFFFFFFC0];
	_ =	sdelay $0x1  }
0xb8: {  	v3 =	vld [tilespmem:s19+$0xFFFFFFC0]  }
0xb9: {  	v4 =	vld [tilespmem:s18+$0xFFFFFFC0];
	_ =	sdelay $0x1  }
0xba: {  	v2 =	vadd.s32 v1, v2;
	_ =	sdelay $0x2  }
0xbb: {  	v3 =	vmul.f32 v4, v3;
	_ =	sdelay $0x1  }
0xbc: {  	[tilespmem:v2+s23+$0x0] =	vst.idx.add.f32.msk $0xffff, v3  }
0xbd: {  	v2 =	vld [tilespmem:s17+$0xFFFFFFD0];
	_ =	sdelay $0x1  }
0xbe: {  	v3 =	vld [tilespmem:s19+$0xFFFFFFD0]  }
0xbf: {  	v57 =	vld [tilespmem:s18+$0xFFFFFFD0];
	_ =	sdelay $0x1  }
0xc0: {  	v2 =	vadd.s32 v1, v2;
	_ =	sdelay $0x2  }
0xc1: {  	v3 =	vmul.f32 v57, v3;
	_ =	sdelay $0x1  }
0xc2: {  	[tilespmem:v2+s24+$0x0] =	vst.idx.add.f32.msk $0xffff, v3  }
0xc3: {  	v2 =	vld [tilespmem:s17+$0xFFFFFFE0];
	_ =	sdelay $0x1  }
0xc4: {  	v3 =	vld [tilespmem:s19+$0xFFFFFFE0]  }
0xc5: {  	v58 =	vld [tilespmem:s18+$0xFFFFFFE0];
	_ =	sdelay $0x1  }
0xc6: {  	v2 =	vadd.s32 v1, v2;
	_ =	sdelay $0x2  }
0xc7: {  	v3 =	vmul.f32 v58, v3;
	_ =	sdelay $0x1  }
0xc8: {  	[tilespmem:v2+s23+$0x0] =	vst.idx.add.f32.msk $0xffff, v3  }
0xc9: {  	v2 =	vld [tilespmem:s17+$0xFFFFFFF0];
	_ =	sdelay $0x1  }
0xca: {  	v3 =	vld [tilespmem:s19+$0xFFFFFFF0]  }
0xcb: {  	v59 =	vld [tilespmem:s18+$0xFFFFFFF0];
	_ =	sdelay $0x1  }
0xcc: {  	v2 =	vadd.s32 v1, v2;
	_ =	sdelay $0x2  }
0xcd: {  	v3 =	vmul.f32 v59, v3;
	_ =	sdelay $0x1  }
0xce: {  	[tilespmem:v2+s24+$0x0] =	vst.idx.add.f32.msk $0xffff, v3  }
0xcf: {  	v2 =	vld [tilespmem:s17+$0x0];
	_ =	sdelay $0x1  }
0xd0: {  	v3 =	vld [tilespmem:s19+$0x0]  }
0xd1: {  	v60 =	vld [tilespmem:s18+$0x0];
	_ =	sdelay $0x1  }
0xd2: {  	v2 =	vadd.s32 v1, v2;
	_ =	sdelay $0x2  }
0xd3: {  	v3 =	vmul.f32 v60, v3;
	_ =	sdelay $0x1  }
0xd4: {  	[tilespmem:v2+s23+$0x0] =	vst.idx.add.f32.msk $0xffff, v3  }
0xd5: {  	v2 =	vld [tilespmem:s17+$0x10];
	_ =	sdelay $0x1  }
0xd6: {  	v3 =	vld [tilespmem:s19+$0x10]  }
0xd7: {  	v61 =	vld [tilespmem:s18+$0x10];
	_ =	sdelay $0x1  }
0xd8: {  	v2 =	vadd.s32 v1, v2;
	_ =	sdelay $0x2  }
0xd9: {  	v3 =	vmul.f32 v61, v3;
	_ =	sdelay $0x1  }
0xda: {  	[tilespmem:v2+s24+$0x0] =	vst.idx.add.f32.msk $0xffff, v3  }
0xdb: {  	v2 =	vld [tilespmem:s17+$0x20];
	_ =	sdelay $0x1  }
0xdc: {  	v3 =	vld [tilespmem:s19+$0x20]  }
0xdd: {  	v62 =	vld [tilespmem:s18+$0x20];
	_ =	sdelay $0x1  }
0xde: {  	v2 =	vadd.s32 v1, v2;
	_ =	sdelay $0x2  }
0xdf: {  	v3 =	vmul.f32 v62, v3;
	_ =	sdelay $0x1  }
0xe0: {  	[tilespmem:v2+s23+$0x0] =	vst.idx.add.f32.msk $0xffff, v3  }
0xe1: {  	v2 =	vld [tilespmem:s17+$0x30];
	_ =	sdelay $0x1  }
0xe2: {  	v3 =	vld [tilespmem:s19+$0x30]  }
0xe3: {  	v63 =	vld [tilespmem:s18+$0x30]  }
0xe4: {  	s0 =	sadd.s32 $0x4, s0  }
0xe5: {  	p2 =	slt.u32 s0, $0x2C;
	v2 =	vadd.s32 v1, v2  }
.Ltmp2:
0xe6: {  	_ = 	snop;
	(pc) =	sbr.rel @p2 .LBB2_2-.Ltmp2, $3  }
0xe7: {  	_ = 	snop  }
0xe8: {  	v3 =	vmul.f32 v63, v3;
	_ =	sdelay $0x1  }
0xe9: {  	s17 =	sadd.s32 $0x80, s17;
	s18 =	sadd.s32 $0x80, s18;
	s19 =	sadd.s32 $0x80, s19;
	[tilespmem:v2+s24+$0x0] =	vst.idx.add.f32.msk $0xffff, v3  }
0xea: {  	v2 =	vld [tilespmem:$0x1F00];
	_ =	sdelay $0x1  }
0xeb: {  	v3 =	vld [tilespmem:$0x600]  }
0xec: {  	v4 =	vld [tilespmem:$0x1280];
	_ =	sdelay $0x1  }
0xed: {  	v2 =	vadd.s32 v1, v2;
	_ =	sdelay $0x2  }
0xee: {  	v3 =	vmul.f32 v4, v3;
	_ =	sdelay $0x1  }
0xef: {  	[tilespmem:v2+s23+$0x0] =	vst.idx.add.f32.msk $0xffff, v3  }
0xf0: {  	v2 =	vld [tilespmem:$0x1F10];
	_ =	sdelay $0x1  }
0xf1: {  	v3 =	vld [tilespmem:$0x610]  }
0xf2: {  	v63 =	vld [tilespmem:$0x1290];
	_ =	sdelay $0x1  }
0xf3: {  	v2 =	vadd.s32 v1, v2;
	_ =	sdelay $0x2  }
0xf4: {  	v3 =	vmul.f32 v63, v3;
	_ =	sdelay $0x1  }
0xf5: {  	[tilespmem:v2+s24+$0x0] =	vst.idx.add.f32.msk $0xffff, v3  }
0xf6: {  	_ =	swait.ge [sflag:s25], $0x610  }
0xf7: {  	[sflag:s25] =	ssyncset.done $0x0  }
0xf8: {  	[sflag:s25] =	ssyncadd.s32 $0xFFFFF9F0  }
0xf9: {  	_ =	swait.ge [sflag:s26], $0x610  }
0xfa: {  	[sflag:s26] =	ssyncset.done $0x0  }
0xfb: {  	[sflag:s26] =	ssyncadd.s32 $0xFFFFF9F0  }
0xfc: {  	_ =	swait.ge [sflag:s28], $0x610  }
0xfd: {  	s0 =	simm.s32 $0xFFFFFFFC;
	s17 =	simm.s32 $0x690;
	[sflag:s28] =	ssyncset.done $0x0  }
0xfe: {  	s18 =	simm.s32 $0x1310;
	s19 =	simm.s32 $0x1F90;
	[sflag:s28] =	ssyncadd.s32 $0xFFFFF9F0  }
.LBB2_4:
0xff: {  	v2 =	vld [tilespmem:s19+$0xFFFFFF90];
	_ =	sdelay $0x1  }
0x100: {  	v3 =	vld [tilespmem:s17+$0xFFFFFF90]  }
0x101: {  	v4 =	vld [tilespmem:s18+$0xFFFFFF90];
	_ =	sdelay $0x1  }
0x102: {  	v2 =	vadd.s32 v1, v2;
	_ =	sdelay $0x2  }
0x103: {  	v3 =	vmul.f32 v4, v3;
	_ =	sdelay $0x1  }
0x104: {  	[tilespmem:v2+s23+$0x0] =	vst.idx.add.f32.msk $0xffff, v3  }
0x105: {  	v2 =	vld [tilespmem:s19+$0xFFFFFFA0];
	_ =	sdelay $0x1  }
0x106: {  	v3 =	vld [tilespmem:s17+$0xFFFFFFA0]  }
0x107: {  	v57 =	vld [tilespmem:s18+$0xFFFFFFA0];
	_ =	sdelay $0x1  }
0x108: {  	v2 =	vadd.s32 v1, v2;
	_ =	sdelay $0x2  }
0x109: {  	v3 =	vmul.f32 v57, v3;
	_ =	sdelay $0x1  }
0x10a: {  	[tilespmem:v2+s24+$0x0] =	vst.idx.add.f32.msk $0xffff, v3  }
0x10b: {  	v2 =	vld [tilespmem:s19+$0xFFFFFFB0];
	_ =	sdelay $0x1  }
0x10c: {  	v3 =	vld [tilespmem:s17+$0xFFFFFFB0]  }
0x10d: {  	v58 =	vld [tilespmem:s18+$0xFFFFFFB0];
	_ =	sdelay $0x1  }
0x10e: {  	v2 =	vadd.s32 v1, v2;
	_ =	sdelay $0x2  }
0x10f: {  	v3 =	vmul.f32 v58, v3;
	_ =	sdelay $0x1  }
0x110: {  	[tilespmem:v2+s23+$0x0] =	vst.idx.add.f32.msk $0xffff, v3  }
0x111: {  	v2 =	vld [tilespmem:s19+$0xFFFFFFC0];
	_ =	sdelay $0x1  }
0x112: {  	v3 =	vld [tilespmem:s17+$0xFFFFFFC0]  }
0x113: {  	v59 =	vld [tilespmem:s18+$0xFFFFFFC0];
	_ =	sdelay $0x1  }
0x114: {  	v2 =	vadd.s32 v1, v2;
	_ =	sdelay $0x2  }
0x115: {  	v3 =	vmul.f32 v59, v3;
	_ =	sdelay $0x1  }
0x116: {  	[tilespmem:v2+s24+$0x0] =	vst.idx.add.f32.msk $0xffff, v3  }
0x117: {  	v2 =	vld [tilespmem:s19+$0xFFFFFFD0];
	_ =	sdelay $0x1  }
0x118: {  	v3 =	vld [tilespmem:s17+$0xFFFFFFD0]  }
0x119: {  	v60 =	vld [tilespmem:s18+$0xFFFFFFD0];
	_ =	sdelay $0x1  }
0x11a: {  	v2 =	vadd.s32 v1, v2;
	_ =	sdelay $0x2  }
0x11b: {  	v3 =	vmul.f32 v60, v3;
	_ =	sdelay $0x1  }
0x11c: {  	[tilespmem:v2+s23+$0x0] =	vst.idx.add.f32.msk $0xffff, v3  }
0x11d: {  	v2 =	vld [tilespmem:s19+$0xFFFFFFE0];
	_ =	sdelay $0x1  }
0x11e: {  	v3 =	vld [tilespmem:s17+$0xFFFFFFE0]  }
0x11f: {  	v61 =	vld [tilespmem:s18+$0xFFFFFFE0];
	_ =	sdelay $0x1  }
0x120: {  	v2 =	vadd.s32 v1, v2;
	_ =	sdelay $0x2  }
0x121: {  	v3 =	vmul.f32 v61, v3;
	_ =	sdelay $0x1  }
0x122: {  	[tilespmem:v2+s24+$0x0] =	vst.idx.add.f32.msk $0xffff, v3  }
0x123: {  	v2 =	vld [tilespmem:s19+$0xFFFFFFF0];
	_ =	sdelay $0x1  }
0x124: {  	v3 =	vld [tilespmem:s17+$0xFFFFFFF0]  }
0x125: {  	v62 =	vld [tilespmem:s18+$0xFFFFFFF0];
	_ =	sdelay $0x1  }
0x126: {  	v2 =	vadd.s32 v1, v2;
	_ =	sdelay $0x2  }
0x127: {  	v3 =	vmul.f32 v62, v3;
	_ =	sdelay $0x1  }
0x128: {  	[tilespmem:v2+s23+$0x0] =	vst.idx.add.f32.msk $0xffff, v3  }
0x129: {  	v2 =	vld [tilespmem:s19+$0x0];
	_ =	sdelay $0x1  }
0x12a: {  	v3 =	vld [tilespmem:s17+$0x0]  }
0x12b: {  	v63 =	vld [tilespmem:s18+$0x0]  }
0x12c: {  	s0 =	sadd.s32 $0x4, s0  }
0x12d: {  	p2 =	slt.u32 s0, $0x2C;
	v2 =	vadd.s32 v1, v2  }
.Ltmp3:
0x12e: {  	_ = 	snop;
	(pc) =	sbr.rel @p2 .LBB2_4-.Ltmp3, $3  }
0x12f: {  	_ = 	snop  }
0x130: {  	v3 =	vmul.f32 v63, v3;
	_ =	sdelay $0x1  }
0x131: {  	s17 =	sadd.s32 $0x80, s17;
	s18 =	sadd.s32 $0x80, s18;
	s19 =	sadd.s32 $0x80, s19;
	[tilespmem:v2+s24+$0x0] =	vst.idx.add.f32.msk $0xffff, v3  }
0x132: {  	v2 =	vld [tilespmem:$0x2520];
	_ =	sdelay $0x1  }
0x133: {  	v3 =	vld [tilespmem:$0xC20]  }
0x134: {  	v4 =	vld [tilespmem:$0x18A0];
	_ =	sdelay $0x1  }
0x135: {  	v2 =	vadd.s32 v1, v2  }
.Ltmp4:
0x136: {  	_ = 	snop;
	(pc) =	sbr.rel @p1 .LBB2_7-.Ltmp4, $3  }
0x137: {  	_ = 	snop  }
0x138: {  	v3 =	vmul.f32 v4, v3;
	_ =	sdelay $0x1  }
0x139: {  	[tilespmem:v2+s23+$0x0] =	vst.idx.add.f32.msk $0xffff, v3  }
0x13a: {  	[tilespmem:s1], [sflag:$0x1] =	stream.linear.gather [hbm4b:s8+s1], $0xA0, $0x38;
	[tilespmem:$0x3E00] =	vst v63  }
0x13b: {  	_ = 	snop  }
0x13c: {  	[tilespmem:s15], [sflag:$0x2] =	stream.linear.gather [hbm4b:s9+s1], $0xA0, $0x38;
	[tilespmem:$0x3E00] =	vst v63  }
0x13d: {  	_ = 	snop  }
0x13e: {  	[tilespmem:s16], [sflag:$0x3] =	stream.linear.gather [hbm4b:s10+s1], $0xA0, $0x38;
	[tilespmem:$0x3E00] =	vst v63  }
0x13f: {  	_ =	swait.ge [sflag:s20], $0xA0  }
0x140: {  	[sflag:s20] =	ssyncset.done $0x0  }
0x141: {  	[sflag:s20] =	ssyncadd.s32 $0xFFFFFF60  }
0x142: {  	_ =	swait.ge [sflag:s21], $0xA0  }
0x143: {  	[sflag:s21] =	ssyncset.done $0x0  }
0x144: {  	[sflag:s21] =	ssyncadd.s32 $0xFFFFFF60  }
0x145: {  	_ =	swait.ge [sflag:s22], $0xA0  }
0x146: {  	[sflag:s22] =	ssyncset.done $0x0  }
0x147: {  	[sflag:s22] =	ssyncadd.s32 $0xFFFFFF60  }
0x148: {  	v2 =	vld [tilespmem:$0x1900];
	_ =	sdelay $0x1  }
0x149: {  	v3 =	vld [tilespmem:$0x0]  }
0x14a: {  	v4 =	vld [tilespmem:$0xC80];
	_ =	sdelay $0x1  }
0x14b: {  	v2 =	vadd.s32 v1, v2;
	_ =	sdelay $0x2  }
0x14c: {  	v3 =	vmul.f32 v4, v3;
	_ =	sdelay $0x1  }
0x14d: {  	[tilespmem:v2+s23+$0x0] =	vst.idx.add.f32.msk $0xffff, v3  }
0x14e: {  	v2 =	vld [tilespmem:$0x1910];
	_ =	sdelay $0x1  }
0x14f: {  	v3 =	vld [tilespmem:$0x10]  }
0x150: {  	v55 =	vld [tilespmem:$0xC90];
	_ =	sdelay $0x1  }
0x151: {  	v2 =	vadd.s32 v1, v2;
	_ =	sdelay $0x2  }
0x152: {  	v3 =	vmul.f32 v55, v3;
	_ =	sdelay $0x1  }
0x153: {  	[tilespmem:v2+s24+$0x0] =	vst.idx.add.f32.msk $0xffff, v3  }
0x154: {  	v2 =	vld [tilespmem:$0x1920];
	_ =	sdelay $0x1  }
0x155: {  	v3 =	vld [tilespmem:$0x20]  }
0x156: {  	v56 =	vld [tilespmem:$0xCA0];
	_ =	sdelay $0x1  }
0x157: {  	v2 =	vadd.s32 v1, v2;
	_ =	sdelay $0x2  }
0x158: {  	v3 =	vmul.f32 v56, v3;
	_ =	sdelay $0x1  }
0x159: {  	[tilespmem:v2+s23+$0x0] =	vst.idx.add.f32.msk $0xffff, v3  }
0x15a: {  	v2 =	vld [tilespmem:$0x1930];
	_ =	sdelay $0x1  }
0x15b: {  	v3 =	vld [tilespmem:$0x30]  }
0x15c: {  	v57 =	vld [tilespmem:$0xCB0];
	_ =	sdelay $0x1  }
0x15d: {  	v2 =	vadd.s32 v1, v2;
	_ =	sdelay $0x2  }
0x15e: {  	v3 =	vmul.f32 v57, v3;
	_ =	sdelay $0x1  }
0x15f: {  	[tilespmem:v2+s24+$0x0] =	vst.idx.add.f32.msk $0xffff, v3  }
0x160: {  	v2 =	vld [tilespmem:$0x1940];
	_ =	sdelay $0x1  }
0x161: {  	v3 =	vld [tilespmem:$0x40]  }
0x162: {  	v58 =	vld [tilespmem:$0xCC0];
	_ =	sdelay $0x1  }
0x163: {  	v2 =	vadd.s32 v1, v2;
	_ =	sdelay $0x2  }
0x164: {  	v3 =	vmul.f32 v58, v3;
	_ =	sdelay $0x1  }
0x165: {  	[tilespmem:v2+s23+$0x0] =	vst.idx.add.f32.msk $0xffff, v3  }
0x166: {  	v2 =	vld [tilespmem:$0x1950];
	_ =	sdelay $0x1  }
0x167: {  	v3 =	vld [tilespmem:$0x50]  }
0x168: {  	v59 =	vld [tilespmem:$0xCD0];
	_ =	sdelay $0x1  }
0x169: {  	v2 =	vadd.s32 v1, v2;
	_ =	sdelay $0x2  }
0x16a: {  	v3 =	vmul.f32 v59, v3;
	_ =	sdelay $0x1  }
0x16b: {  	[tilespmem:v2+s24+$0x0] =	vst.idx.add.f32.msk $0xffff, v3  }
0x16c: {  	v2 =	vld [tilespmem:$0x1960];
	_ =	sdelay $0x1  }
0x16d: {  	v3 =	vld [tilespmem:$0x60]  }
0x16e: {  	v60 =	vld [tilespmem:$0xCE0];
	_ =	sdelay $0x1  }
0x16f: {  	v2 =	vadd.s32 v1, v2;
	_ =	sdelay $0x2  }
0x170: {  	v3 =	vmul.f32 v60, v3;
	_ =	sdelay $0x1  }
0x171: {  	[tilespmem:v2+s23+$0x0] =	vst.idx.add.f32.msk $0xffff, v3  }
0x172: {  	v2 =	vld [tilespmem:$0x1970];
	_ =	sdelay $0x1  }
0x173: {  	v3 =	vld [tilespmem:$0x70]  }
0x174: {  	v61 =	vld [tilespmem:$0xCF0];
	_ =	sdelay $0x1  }
0x175: {  	v2 =	vadd.s32 v1, v2;
	_ =	sdelay $0x2  }
0x176: {  	v3 =	vmul.f32 v61, v3;
	_ =	sdelay $0x1  }
0x177: {  	[tilespmem:v2+s24+$0x0] =	vst.idx.add.f32.msk $0xffff, v3  }
0x178: {  	v2 =	vld [tilespmem:$0x1980];
	_ =	sdelay $0x1  }
0x179: {  	v3 =	vld [tilespmem:$0x80]  }
0x17a: {  	v62 =	vld [tilespmem:$0xD00];
	_ =	sdelay $0x1  }
0x17b: {  	v2 =	vadd.s32 v1, v2;
	_ =	sdelay $0x2  }
0x17c: {  	v3 =	vmul.f32 v62, v3;
	_ =	sdelay $0x1  }
0x17d: {  	[tilespmem:v2+s23+$0x0] =	vst.idx.add.f32.msk $0xffff, v3  }
0x17e: {  	v2 =	vld [tilespmem:$0x1990];
	_ =	sdelay $0x1  }
0x17f: {  	v3 =	vld [tilespmem:$0x90]  }
0x180: {  	v63 =	vld [tilespmem:$0xD10];
	_ =	sdelay $0x1  }
0x181: {  	v2 =	vadd.s32 v1, v2  }
.Ltmp5:
0x182: {  	_ = 	snop;
	(pc) =	sbr.rel .LBB2_7-.Ltmp5, $3  }
0x183: {  	_ = 	snop  }
0x184: {  	v3 =	vmul.f32 v63, v3;
	_ =	sdelay $0x1  }
0x185: {  	[tilespmem:v2+s24+$0x0] =	vst.idx.add.f32.msk $0xffff, v3  }
.LBB2_8:
0x186: {  	_ =	sfence.sel $0x180000  }
0x187: {  	[bflag:$0x0] =	sbarrier.arrive $0xFFFF  }
0x188: {  	_ =	strace $0x90000047  }
0x189: {  	[bflag:$0x2] =	sbarrier.arrive $0xFFFF  }
0x18a: {  	s0 =	rddreg [dreg:$0x5]  }
0x18b: {  	s0 =	sadd.s32 @!p0 $0x100000, s0  }
0x18c: {  	[sflag:s0] =	ssyncadd.tile.s32 @!p0 $0x1;
	_ =	shalt  }
.Lfunc_end2:
_tile_overlayer_lowered:
.L_overlay_start_2:
0x18d: {  	(tag) =	ssettag $0x2  }
0x18e: {  	s0 =	rddreg [dreg:$0x0];
	s2 =	stileid.u32  }
0x18f: {  	s1 =	rddreg [dreg:$0x1];
	p0 =	sne.s32 s2, $0x0  }
0x190: {  	s3 =	rddreg [dreg:$0x2];
	[bflag:$0x3] =	sbarrier.arrive $0xFFFF;
	s2 =	simm.s32 @!p0 $0x1C07  }
0x191: {  	[timem:s3], [sflag:s2] =	dma.local @!p0 [hbm:s0], s1  }
0x192: {  	s0 =	simm.s32 @!p0 $0x7  }
0x193: {  	_ =	swait.ge @!p0 [sflag:s0], s1  }
0x194: {  	s1 =	ssub.s32 @!p0 $0x0, s1;
	[sflag:s0] =	ssyncset.done @!p0 $0x0  }
0x195: {  	[sflag:s0] =	ssyncadd.s32 @!p0 s1  }
0x196: {  	[bflag:$0x3] =	sbarrier.arrive $0xFFFF  }
0x197: {  	_ =	shalt  }

</sc_bundles>
